<compile_context>
chip_gen: v7x
topology: tpu7x:2x2x1
jax: 0.10.2.dev20260603
libtpu: 0.0.44.dev20260713+nightly
codegen_flags: <defaults>
</compile_context>

<pallas_src>
import functools

import jax
import jax.numpy as jnp
from jax import lax
from jax.experimental import pallas as pl
from jax.experimental.pallas import tpu as pltpu
from jax.experimental.pallas import tpu_sc as plsc

B = 4
N = 50000
E = 1600000
CBG = 30000
D_IN = 8
D_HID = 16
D_OUT = 8

NC, NS, L = 2, 16, 16
NW = NC * NS
N_VECS = N // L

DEG_CH = 4000
DEG_EDGES = E // 8
AGG_CH = 4000

_SC_MESH = plsc.VectorSubcoreMesh(
    core_axis_name="c", subcore_axis_name="s", num_cores=NC, num_subcores=NS)
_SC_PARAMS = pltpu.CompilerParams(needs_layout_passes=False)


def _zero_fill(ref):
    zeros = jnp.zeros((L,), jnp.float32)

    @plsc.parallel_loop(0, N_VECS, unroll=8)
    def body(i):
        ref[pl.ds(i * L, L)] = zeros


@functools.partial(
    pl.kernel, mesh=_SC_MESH, compiler_params=_SC_PARAMS,
    out_type=(jax.ShapeDtypeStruct((NW * N,), jnp.float32),
              jax.ShapeDtypeStruct((NW * N,), jnp.float32)),
    scratch_types=[
        pltpu.VMEM((N,), jnp.float32),
        pltpu.VMEM((N,), jnp.float32),
        pltpu.VMEM((DEG_CH,), jnp.int32),
        pltpu.VMEM((DEG_CH,), jnp.int32),
        pltpu.VMEM((DEG_CH,), jnp.int32),
        pltpu.VMEM((DEG_CH,), jnp.int32),
        pltpu.SemaphoreType.DMA,
        pltpu.SemaphoreType.DMA,
    ],
)
def _sc_degrees(src_hbm, dst_hbm, cnt_src_hbm, cnt_dst_hbm,
                cs_v, cd_v, src_b0, src_b1, dst_b0, dst_b1, sem0, sem1):
    wid = lax.axis_index("s") * NC + lax.axis_index("c")
    b = wid // 8
    base = b * E + (wid % 8) * DEG_EDGES
    n_chunks = DEG_EDGES // DEG_CH
    slots = ((src_b0, dst_b0, sem0), (src_b1, dst_b1, sem1))

    def issue(c, k):
        s_b, d_b, sem = slots[k]
        off = base + c * DEG_CH
        pltpu.async_copy(src_hbm.at[pl.ds(off, DEG_CH)], s_b, sem)
        pltpu.async_copy(dst_hbm.at[pl.ds(off, DEG_CH)], d_b, sem)

    def drain(k):
        s_b, d_b, sem = slots[k]
        pltpu.make_async_copy(src_hbm.at[pl.ds(0, DEG_CH)], s_b, sem).wait()
        pltpu.make_async_copy(dst_hbm.at[pl.ds(0, DEG_CH)], d_b, sem).wait()

    issue(0, 0)
    issue(1, 1)
    _zero_fill(cs_v)
    _zero_fill(cd_v)
    ones = jnp.ones((L,), jnp.float32)

    def pair(g, _):
        for k in range(2):
            c = g * 2 + k
            s_b, d_b, _sem = slots[k]
            drain(k)

            @plsc.parallel_loop(0, DEG_CH // L, unroll=8)
            def vec(i, s_b=s_b, d_b=d_b):
                o = i * L
                plsc.addupdate_scatter(cs_v, [s_b[pl.ds(o, L)]], ones)
                plsc.addupdate_scatter(cd_v, [d_b[pl.ds(o, L)]], ones)

            @pl.when(c + 2 < n_chunks)
            def _(c=c, k=k):
                issue(c + 2, k)
        return 0

    lax.fori_loop(0, n_chunks // 2, pair, 0)
    pltpu.sync_copy(cs_v, cnt_src_hbm.at[pl.ds(wid * N, N)])
    pltpu.sync_copy(cd_v, cnt_dst_hbm.at[pl.ds(wid * N, N)])


@functools.partial(
    pl.kernel, mesh=_SC_MESH, compiler_params=_SC_PARAMS,
    out_type=jax.ShapeDtypeStruct((NW * N,), jnp.float32),
    scratch_types=[
        pltpu.VMEM((N,), jnp.float32),
        pltpu.VMEM((N,), jnp.float32),
        pltpu.VMEM((AGG_CH,), jnp.int32),
        pltpu.VMEM((AGG_CH,), jnp.int32),
        pltpu.VMEM((AGG_CH,), jnp.int32),
        pltpu.VMEM((AGG_CH,), jnp.int32),
        pltpu.VMEM((AGG_CH,), jnp.float32),
        pltpu.VMEM((AGG_CH,), jnp.float32),
        pltpu.SemaphoreType.DMA,
        pltpu.SemaphoreType.DMA,
    ],
)
def _sc_aggregate(src_hbm, dst_hbm, ew_hbm, tab_hbm, agg_hbm,
                  tab_v, acc_v, src_b0, src_b1, dst_b0, dst_b1,
                  ew_b0, ew_b1, sem0, sem1):
    wid = lax.axis_index("s") * NC + lax.axis_index("c")
    b = wid // 8
    n_chunks = E // AGG_CH
    slots = ((src_b0, dst_b0, ew_b0, sem0), (src_b1, dst_b1, ew_b1, sem1))

    def issue(c, k):
        s_b, d_b, w_b, sem = slots[k]
        off = b * E + c * AGG_CH
        pltpu.async_copy(src_hbm.at[pl.ds(off, AGG_CH)], s_b, sem)
        pltpu.async_copy(dst_hbm.at[pl.ds(off, AGG_CH)], d_b, sem)
        pltpu.async_copy(ew_hbm.at[pl.ds(off, AGG_CH)], w_b, sem)

    def drain(k):
        s_b, d_b, w_b, sem = slots[k]
        pltpu.make_async_copy(src_hbm.at[pl.ds(0, AGG_CH)], s_b, sem).wait()
        pltpu.make_async_copy(dst_hbm.at[pl.ds(0, AGG_CH)], d_b, sem).wait()
        pltpu.make_async_copy(ew_hbm.at[pl.ds(0, AGG_CH)], w_b, sem).wait()

    issue(0, 0)
    issue(1, 1)
    pltpu.sync_copy(tab_hbm.at[pl.ds(wid * N, N)], tab_v)
    _zero_fill(acc_v)

    def pair(g, _):
        for k in range(2):
            c = g * 2 + k
            s_b, d_b, w_b, _sem = slots[k]
            drain(k)

            @plsc.parallel_loop(0, AGG_CH // L, unroll=8)
            def vec(i, s_b=s_b, d_b=d_b, w_b=w_b):
                o = i * L
                g_v = plsc.load_gather(tab_v, [s_b[pl.ds(o, L)]])
                m = g_v * w_b[pl.ds(o, L)]
                plsc.addupdate_scatter(acc_v, [d_b[pl.ds(o, L)]], m)

            @pl.when(c + 2 < n_chunks)
            def _(c=c, k=k):
                issue(c + 2, k)
        return 0

    lax.fori_loop(0, n_chunks // 2, pair, 0)
    pltpu.sync_copy(acc_v, agg_hbm.at[pl.ds(wid * N, N)])


def _tc_prep_body(cs_ref, cd_ref, ft_ref, xt_ref, rso_ref, rsi_ref):
    deg_o = jnp.sum(cs_ref[...], axis=0)
    deg_i = jnp.sum(cd_ref[...], axis=0)
    rs_o = lax.rsqrt(jnp.maximum(deg_o, 1.0))
    rs_i = lax.rsqrt(jnp.maximum(deg_i, 1.0))
    xt_ref[...] = ft_ref[...] * rs_o[None, None, :]
    rso_ref[...] = rs_o[None, None, :]
    rsi_ref[...] = rs_i[None, None, :]


def _tc_prep(cnt_src, cnt_dst, feat_t):
    return pl.pallas_call(
        _tc_prep_body,
        grid=(B,),
        compiler_params=pltpu.CompilerParams(
            vmem_limit_bytes=100 * 1024 * 1024),
        in_specs=[
            pl.BlockSpec((8, N), lambda b: (b, 0)),
            pl.BlockSpec((8, N), lambda b: (b, 0)),
            pl.BlockSpec((1, D_IN, N), lambda b: (b, 0, 0)),
        ],
        out_specs=[
            pl.BlockSpec((1, D_IN, N), lambda b: (b, 0, 0)),
            pl.BlockSpec((1, 1, N), lambda b: (b, 0, 0)),
            pl.BlockSpec((1, 1, N), lambda b: (b, 0, 0)),
        ],
        out_shape=[
            jax.ShapeDtypeStruct((B, D_IN, N), jnp.float32),
            jax.ShapeDtypeStruct((B, 1, N), jnp.float32),
            jax.ShapeDtypeStruct((B, 1, N), jnp.float32),
        ],
    )(cnt_src, cnt_dst, feat_t)


def _tc_mid_body(agg_ref, rsi_ref, rso_ref, w1t_ref, b1_ref, w2t_ref, out_ref):
    t = agg_ref[...][0] * rsi_ref[...][0]
    h = jnp.dot(w1t_ref[...], t, preferred_element_type=jnp.float32,
                precision=lax.Precision.HIGHEST) + b1_ref[...]
    h = jnp.where(h >= 0.0, h, 0.01 * h)
    g2 = jnp.dot(w2t_ref[...], h * rso_ref[...][0],
                 preferred_element_type=jnp.float32,
                 precision=lax.Precision.HIGHEST)
    out_ref[...] = g2[None]


def _tc_mid(agg1, rs_i, rs_o, w1t, b1c, w2t):
    return pl.pallas_call(
        _tc_mid_body,
        grid=(B,),
        in_specs=[
            pl.BlockSpec((1, D_IN, N), lambda b: (b, 0, 0)),
            pl.BlockSpec((1, 1, N), lambda b: (b, 0, 0)),
            pl.BlockSpec((1, 1, N), lambda b: (b, 0, 0)),
            pl.BlockSpec((D_HID, D_IN), lambda b: (0, 0)),
            pl.BlockSpec((D_HID, 1), lambda b: (0, 0)),
            pl.BlockSpec((D_OUT, D_HID), lambda b: (0, 0)),
        ],
        out_specs=pl.BlockSpec((1, D_OUT, N), lambda b: (b, 0, 0)),
        out_shape=jax.ShapeDtypeStruct((B, D_OUT, N), jnp.float32),
    )(agg1, rs_i, rs_o, w1t, b1c, w2t)


def _tc_final_body(agg_ref, rsi_ref, b2_ref, out_ref):
    o = agg_ref[...][0] * rsi_ref[...][0] + b2_ref[...]
    out_ref[...] = o[:, :CBG][None]


def _tc_final(agg2, rs_i, b2c):
    return pl.pallas_call(
        _tc_final_body,
        grid=(B,),
        compiler_params=pltpu.CompilerParams(
            vmem_limit_bytes=100 * 1024 * 1024),
        in_specs=[
            pl.BlockSpec((1, D_OUT, N), lambda b: (b, 0, 0)),
            pl.BlockSpec((1, 1, N), lambda b: (b, 0, 0)),
            pl.BlockSpec((D_OUT, 1), lambda b: (0, 0)),
        ],
        out_specs=pl.BlockSpec((1, D_OUT, CBG), lambda b: (b, 0, 0)),
        out_shape=jax.ShapeDtypeStruct((B, D_OUT, CBG), jnp.float32),
    )(agg2, rs_i, b2c)


def kernel(edge_index, edge_weight, cbg_encode, poi_encode, W1, b1, W2, b2):
    feat_t = jnp.concatenate(
        (cbg_encode, poi_encode), axis=1).transpose(0, 2, 1)
    src_flat = edge_index[:, 0, :].reshape(-1)
    dst_flat = edge_index[:, 1, :].reshape(-1)
    ew_flat = edge_weight.reshape(-1)

    cnt_src, cnt_dst = _sc_degrees(src_flat, dst_flat)
    x_t, rs_o, rs_i = _tc_prep(cnt_src.reshape(NW, N),
                               cnt_dst.reshape(NW, N), feat_t)

    agg1 = _sc_aggregate(src_flat, dst_flat, ew_flat,
                         x_t.reshape(NW * N))
    g2_t = _tc_mid(agg1.reshape(B, D_IN, N), rs_i, rs_o,
                   W1.T, b1.reshape(D_HID, 1), W2.T)

    agg2 = _sc_aggregate(src_flat, dst_flat, ew_flat,
                         g2_t.reshape(NW * N))
    out_t = _tc_final(agg2.reshape(B, D_OUT, N), rs_i,
                      b2.reshape(D_OUT, 1))
    return out_t.transpose(0, 2, 1)

# --- scband reference (transcript-rebuilt; emitter-appended) ---
"""Pipeline reference for scband-gcn-29712583753989 (READ-ONLY COPY).

The authoritative reference and input builder live on the scoring server;
editing this copy changes nothing except your own understanding.
"""

import jax, jax.numpy as jnp
import numpy as np

B = 4
N = 50000
E = 1600000
CBG = 30000
POI = 20000
D_IN = 8
D_HID = 16
D_OUT = 8


def setup_inputs(seed: int = 0) -> dict:
    key = jax.random.key(seed)
    ks = jax.random.split(key, 8)
    edge_index = jax.random.randint(ks[0], (B, 2, E), 0, N, dtype=jnp.int32)
    edge_weight = jax.random.uniform(ks[1], (B, E), dtype=jnp.float32)
    cbg_encode = jax.random.normal(ks[2], (B, CBG, D_IN), dtype=jnp.float32)
    poi_encode = jax.random.normal(ks[3], (B, POI, D_IN), dtype=jnp.float32)
    W1 = jax.random.normal(ks[4], (D_IN, D_HID), dtype=jnp.float32) * 0.1
    b1 = jnp.zeros((D_HID,), dtype=jnp.float32)
    W2 = jax.random.normal(ks[5], (D_HID, D_OUT), dtype=jnp.float32) * 0.1
    b2 = jnp.zeros((D_OUT,), dtype=jnp.float32)
    return {"edge_index": edge_index, "edge_weight": edge_weight,
            "cbg_encode": cbg_encode, "poi_encode": poi_encode,
            "W1": W1, "b1": b1, "W2": W2, "b2": b2}


def _graph_conv(x, src, dst, ew, W, b):
    # DGL GraphConv, norm='both', weight=True, bias=True, allow_zero_in_degree=True
    deg_out = jnp.maximum(jnp.bincount(src, length=N).astype(x.dtype), 1.0)
    h = x * jax.lax.rsqrt(deg_out)[:, None]
    m = jnp.take(h, src, axis=0) * ew[:, None]          # gather + edge weight
    agg = jax.ops.segment_sum(m, dst, num_segments=N)    # scatter-add
    deg_in = jnp.maximum(jnp.bincount(dst, length=N).astype(x.dtype), 1.0)
    agg = agg * jax.lax.rsqrt(deg_in)[:, None]
    return agg @ W + b


def reference(edge_index, edge_weight, cbg_encode, poi_encode, W1, b1, W2, b2):
    feature = jnp.concatenate((cbg_encode, poi_encode), axis=1)  # [B, N, 8]
    embeddings = []
    for i in range(B):
        src = edge_index[i, 0]
        dst = edge_index[i, 1]
        ew = edge_weight[i]
        h = jax.nn.leaky_relu(_graph_conv(feature[i], src, dst, ew, W1, b1), negative_slope=0.01)
        h = _graph_conv(h, src, dst, ew, W2, b2)
        embeddings.append(h[None])
    embeddings = jnp.concatenate(embeddings, axis=0)
    cbg_embeddings = embeddings[:, :CBG, :]
    return cbg_embeddings

if __name__ == "__main__":
    import jax
    _d = setup_inputs()
    print(jax.jit(kernel)(*tuple(_d.values())))

</pallas_src>

<mosaic_0001>
#map = affine_map<(d0, d1) -> (0)>
module attributes {stable_mosaic.version = 14 : i64} {
  func.func @_sc_aggregate(%arg0: i32, %arg1: i32, %arg2: memref<6400000xi32, #tpu.memory_space<hbm>>, %arg3: memref<6400000xi32, #tpu.memory_space<hbm>>, %arg4: memref<6400000xf32, #tpu.memory_space<hbm>>, %arg5: memref<1600000xf32, #tpu.memory_space<hbm>>, %arg6: memref<1600000xf32, #tpu.memory_space<hbm>>, %arg7: memref<50000xf32, #tpu.memory_space<vmem>>, %arg8: memref<50000xf32, #tpu.memory_space<vmem>>, %arg9: memref<4000xi32, #tpu.memory_space<vmem>>, %arg10: memref<4000xi32, #tpu.memory_space<vmem>>, %arg11: memref<4000xi32, #tpu.memory_space<vmem>>, %arg12: memref<4000xi32, #tpu.memory_space<vmem>>, %arg13: memref<4000xf32, #tpu.memory_space<vmem>>, %arg14: memref<4000xf32, #tpu.memory_space<vmem>>, %arg15: memref<!tpu.dma_semaphore, #tpu.memory_space<semaphore_mem>>, %arg16: memref<!tpu.dma_semaphore, #tpu.memory_space<semaphore_mem>>) attributes {dimension_semantics = [#tpu.dimension_semantics<core_parallel>, #tpu.dimension_semantics<subcore_parallel>], iteration_bounds = array<i64: 2, 16>, scalar_prefetch = 0 : i64, scratch_operands = 10 : i64, tpu.core_type = #tpu.core_type<sc_vector_subcore>, window_params = [{transform_indices = #map}, {transform_indices = #map}, {transform_indices = #map}, {transform_indices = #map}, {transform_indices = #map}]} {
    %mul3A = arith.constant 2 : i32
    %mul3A_0 = arith.muli %arg1, %mul3A : i32
    %add3A = arith.addi %mul3A_0, %arg0 : i32
    %jit3A = arith.constant 8 : i32
    %div3A = arith.divsi %add3A, %jit3A : i32
    %sign3A = arith.constant 0 : i32
    %sign3A_1 = arith.cmpi sgt, %add3A, %sign3A : i32
    %sign3A_2 = arith.extui %sign3A_1 : i1 to i32
    %sign3A_3 = arith.constant 0 : i32
    %sign3A_4 = arith.cmpi slt, %add3A, %sign3A_3 : i32
    %sign3A_5 = arith.extui %sign3A_4 : i1 to i32
    %sign3A_6 = arith.subi %sign3A_2, %sign3A_5 : i32
    %sign3A_7 = arith.constant 0 : i32
    %sign3A_8 = arith.cmpi sgt, %jit3A, %sign3A_7 : i32
    %sign3A_9 = arith.extui %sign3A_8 : i1 to i32
    %sign3A_10 = arith.constant 0 : i32
    %sign3A_11 = arith.cmpi slt, %jit3A, %sign3A_10 : i32
    %sign3A_12 = arith.extui %sign3A_11 : i1 to i32
    %sign3A_13 = arith.subi %sign3A_9, %sign3A_12 : i32
    %ne3A = arith.cmpi ne, %sign3A_6, %sign3A_13 : i32
    %rem3A = arith.remsi %add3A, %jit3A : i32
    %ne3A_14 = arith.constant 0 : i32
    %ne3A_15 = arith.cmpi ne, %rem3A, %ne3A_14 : i32
    %and3A = arith.andi %ne3A, %ne3A_15 : i1
    %sub3A = arith.constant 1 : i32
    %sub3A_16 = arith.subi %div3A, %sub3A : i32
    %select_n3A = arith.select %and3A, %sub3A_16, %div3A : i32
    %mul3A_17 = arith.constant 1600000 : i32
    %mul3A_18 = arith.muli %select_n3A, %mul3A_17 : i32
    %add3A_19 = arith.constant 0 : i32
    %add3A_20 = arith.addi %mul3A_18, %add3A_19 : i32
    %dma_start3A = tpu.memref_slice %arg2[%add3A_20] : memref<6400000xi32, #tpu.memory_space<hbm>> -> memref<4000xi32, #tpu.memory_space<hbm>>
    %dma_start3A_21 = tpu.memref_slice %arg2[%add3A_20] : memref<6400000xi32, #tpu.memory_space<hbm>> -> memref<4000xi32, #tpu.memory_space<hbm>>
    tpu.enqueue_dma source(%dma_start3A_21 : memref<4000xi32, #tpu.memory_space<hbm>>) target(%arg9 : memref<4000xi32, #tpu.memory_space<vmem>>) target_semaphore(%arg15 : memref<!tpu.dma_semaphore, #tpu.memory_space<semaphore_mem>>)
    %dma_start3A_22 = tpu.memref_slice %arg3[%add3A_20] : memref<6400000xi32, #tpu.memory_space<hbm>> -> memref<4000xi32, #tpu.memory_space<hbm>>
    %dma_start3A_23 = tpu.memref_slice %arg3[%add3A_20] : memref<6400000xi32, #tpu.memory_space<hbm>> -> memref<4000xi32, #tpu.memory_space<hbm>>
    tpu.enqueue_dma source(%dma_start3A_23 : memref<4000xi32, #tpu.memory_space<hbm>>) target(%arg11 : memref<4000xi32, #tpu.memory_space<vmem>>) target_semaphore(%arg15 : memref<!tpu.dma_semaphore, #tpu.memory_space<semaphore_mem>>)
    %dma_start3A_24 = tpu.memref_slice %arg4[%add3A_20] : memref<6400000xf32, #tpu.memory_space<hbm>> -> memref<4000xf32, #tpu.memory_space<hbm>>
    %dma_start3A_25 = tpu.memref_slice %arg4[%add3A_20] : memref<6400000xf32, #tpu.memory_space<hbm>> -> memref<4000xf32, #tpu.memory_space<hbm>>
    tpu.enqueue_dma source(%dma_start3A_25 : memref<4000xf32, #tpu.memory_space<hbm>>) target(%arg13 : memref<4000xf32, #tpu.memory_space<vmem>>) target_semaphore(%arg15 : memref<!tpu.dma_semaphore, #tpu.memory_space<semaphore_mem>>)
    %mul3A_26 = arith.constant 1600000 : i32
    %mul3A_27 = arith.muli %select_n3A, %mul3A_26 : i32
    %add3A_28 = arith.constant 4000 : i32
    %add3A_29 = arith.addi %mul3A_27, %add3A_28 : i32
    %dma_start3A_30 = tpu.memref_slice %arg2[%add3A_29] : memref<6400000xi32, #tpu.memory_space<hbm>> -> memref<4000xi32, #tpu.memory_space<hbm>>
    %dma_start3A_31 = tpu.memref_slice %arg2[%add3A_29] : memref<6400000xi32, #tpu.memory_space<hbm>> -> memref<4000xi32, #tpu.memory_space<hbm>>
    tpu.enqueue_dma source(%dma_start3A_31 : memref<4000xi32, #tpu.memory_space<hbm>>) target(%arg10 : memref<4000xi32, #tpu.memory_space<vmem>>) target_semaphore(%arg16 : memref<!tpu.dma_semaphore, #tpu.memory_space<semaphore_mem>>)
    %dma_start3A_32 = tpu.memref_slice %arg3[%add3A_29] : memref<6400000xi32, #tpu.memory_space<hbm>> -> memref<4000xi32, #tpu.memory_space<hbm>>
    %dma_start3A_33 = tpu.memref_slice %arg3[%add3A_29] : memref<6400000xi32, #tpu.memory_space<hbm>> -> memref<4000xi32, #tpu.memory_space<hbm>>
    tpu.enqueue_dma source(%dma_start3A_33 : memref<4000xi32, #tpu.memory_space<hbm>>) target(%arg12 : memref<4000xi32, #tpu.memory_space<vmem>>) target_semaphore(%arg16 : memref<!tpu.dma_semaphore, #tpu.memory_space<semaphore_mem>>)
    %dma_start3A_34 = tpu.memref_slice %arg4[%add3A_29] : memref<6400000xf32, #tpu.memory_space<hbm>> -> memref<4000xf32, #tpu.memory_space<hbm>>
    %dma_start3A_35 = tpu.memref_slice %arg4[%add3A_29] : memref<6400000xf32, #tpu.memory_space<hbm>> -> memref<4000xf32, #tpu.memory_space<hbm>>
    tpu.enqueue_dma source(%dma_start3A_35 : memref<4000xf32, #tpu.memory_space<hbm>>) target(%arg14 : memref<4000xf32, #tpu.memory_space<vmem>>) target_semaphore(%arg16 : memref<!tpu.dma_semaphore, #tpu.memory_space<semaphore_mem>>)
    %mul3A_36 = arith.constant 50000 : i32
    %mul3A_37 = arith.muli %add3A, %mul3A_36 : i32
    "tpu.region"() ({
      %run_scoped3A = tpu.sem_alloc : memref<!tpu.dma_semaphore, #tpu.memory_space<semaphore_mem>>
      %dma_start3A_49 = tpu.memref_slice %arg5[%mul3A_37] : memref<1600000xf32, #tpu.memory_space<hbm>> -> memref<50000xf32, #tpu.memory_space<hbm>>
      %dma_start3A_50 = tpu.memref_slice %arg5[%mul3A_37] : memref<1600000xf32, #tpu.memory_space<hbm>> -> memref<50000xf32, #tpu.memory_space<hbm>>
      tpu.enqueue_dma source(%dma_start3A_50 : memref<50000xf32, #tpu.memory_space<hbm>>) target(%arg7 : memref<50000xf32, #tpu.memory_space<vmem>>) target_semaphore(%run_scoped3A : memref<!tpu.dma_semaphore, #tpu.memory_space<semaphore_mem>>)
      %dma_wait3A = tpu.memref_slice %arg5[%mul3A_37] : memref<1600000xf32, #tpu.memory_space<hbm>> -> memref<50000xf32, #tpu.memory_space<hbm>>
      %dma_wait3A_51 = tpu.memref_slice %arg5[%mul3A_37] : memref<1600000xf32, #tpu.memory_space<hbm>> -> memref<50000xf32, #tpu.memory_space<hbm>>
      tpu.wait_dma2 semaphore(%run_scoped3A : memref<!tpu.dma_semaphore, #tpu.memory_space<semaphore_mem>>) src(%dma_wait3A_51 : memref<50000xf32, #tpu.memory_space<hbm>>) dst(%arg7 : memref<50000xf32, #tpu.memory_space<vmem>>)
      tpu.yield
    }) : () -> ()
    %broadcast_in_dim3A = arith.constant 0.000000e+00 : f32
    %broadcast_in_dim3A_38 = vector.broadcast %broadcast_in_dim3A : f32 to vector<16xf32>
    %parallel_loop3A = arith.constant 0 : i32
    %parallel_loop3A_39 = arith.constant 3125 : i32
    %parallel_loop3A_40 = arith.constant 1 : i32
    scf.for %parallel_loop3A_49 = %parallel_loop3A to %parallel_loop3A_39 step %parallel_loop3A_40  : i32 {
      %parallel_loop3A_50 = arith.constant 16 : i32
      %parallel_loop3A_51 = arith.muli %parallel_loop3A_49, %parallel_loop3A_50 : i32
      %parallel_loop3A_52 = arith.index_cast %parallel_loop3A_51 : i32 to index
      %parallel_loop3A_53 = tpu.vector_load %arg8[%parallel_loop3A_52] {strides = array<i32>} : memref<50000xf32, #tpu.memory_space<vmem>>, vector<16xf32>,
      tpu.vector_store %arg8[%parallel_loop3A_52], %broadcast_in_dim3A_38 {strides = array<i32>} : memref<50000xf32, #tpu.memory_space<vmem>>, vector<16xf32>,
    } {sc.loop_unroll_factor = 8 : i64, sc.parallel_access}
    %scan3A = arith.constant 0 : i32
    %scan3A_41 = arith.constant 0 : i32
    %scan3A_42 = arith.constant 200 : i32
    %scan3A_43 = arith.addi %scan3A_41, %scan3A_42 : i32
    %scan3A_44 = arith.constant 1 : i32
    %scan3A_45 = scf.for %scan3A_49 = %scan3A_41 to %scan3A_43 step %scan3A_44 iter_args(%scan3A_50 = %scan3A) -> (i32)  : i32 {
      %mul3A_51 = arith.constant 2 : i32
      %mul3A_52 = arith.muli %scan3A_49, %mul3A_51 : i32
      %add3A_53 = arith.constant 0 : i32
      %add3A_54 = arith.addi %mul3A_52, %add3A_53 : i32
      %dma_wait3A = arith.constant 0 : i32
      %dma_wait3A_55 = tpu.memref_slice %arg2[%dma_wait3A] : memref<6400000xi32, #tpu.memory_space<hbm>> -> memref<4000xi32, #tpu.memory_space<hbm>>
      %dma_wait3A_56 = arith.constant 0 : i32
      %dma_wait3A_57 = tpu.memref_slice %arg2[%dma_wait3A_56] : memref<6400000xi32, #tpu.memory_space<hbm>> -> memref<4000xi32, #tpu.memory_space<hbm>>
      tpu.wait_dma2 semaphore(%arg15 : memref<!tpu.dma_semaphore, #tpu.memory_space<semaphore_mem>>) src(%dma_wait3A_57 : memref<4000xi32, #tpu.memory_space<hbm>>) dst(%arg9 : memref<4000xi32, #tpu.memory_space<vmem>>)
      %dma_wait3A_58 = arith.constant 0 : i32
      %dma_wait3A_59 = tpu.memref_slice %arg3[%dma_wait3A_58] : memref<6400000xi32, #tpu.memory_space<hbm>> -> memref<4000xi32, #tpu.memory_space<hbm>>
      %dma_wait3A_60 = arith.constant 0 : i32
      %dma_wait3A_61 = tpu.memref_slice %arg3[%dma_wait3A_60] : memref<6400000xi32, #tpu.memory_space<hbm>> -> memref<4000xi32, #tpu.memory_space<hbm>>
      tpu.wait_dma2 semaphore(%arg15 : memref<!tpu.dma_semaphore, #tpu.memory_space<semaphore_mem>>) src(%dma_wait3A_61 : memref<4000xi32, #tpu.memory_space<hbm>>) dst(%arg11 : memref<4000xi32, #tpu.memory_space<vmem>>)
      %dma_wait3A_62 = arith.constant 0 : i32
      %dma_wait3A_63 = tpu.memref_slice %arg4[%dma_wait3A_62] : memref<6400000xf32, #tpu.memory_space<hbm>> -> memref<4000xf32, #tpu.memory_space<hbm>>
      %dma_wait3A_64 = arith.constant 0 : i32
      %dma_wait3A_65 = tpu.memref_slice %arg4[%dma_wait3A_64] : memref<6400000xf32, #tpu.memory_space<hbm>> -> memref<4000xf32, #tpu.memory_space<hbm>>
      tpu.wait_dma2 semaphore(%arg15 : memref<!tpu.dma_semaphore, #tpu.memory_space<semaphore_mem>>) src(%dma_wait3A_65 : memref<4000xf32, #tpu.memory_space<hbm>>) dst(%arg13 : memref<4000xf32, #tpu.memory_space<vmem>>)
      %parallel_loop3A_66 = arith.constant 0 : i32
      %parallel_loop3A_67 = arith.constant 250 : i32
      %parallel_loop3A_68 = arith.constant 1 : i32
      scf.for %parallel_loop3A_100 = %parallel_loop3A_66 to %parallel_loop3A_67 step %parallel_loop3A_68  : i32 {
        %parallel_loop3A_101 = arith.constant 16 : i32
        %parallel_loop3A_102 = arith.muli %parallel_loop3A_100, %parallel_loop3A_101 : i32
        %parallel_loop3A_103 = arith.index_cast %parallel_loop3A_102 : i32 to index
        %parallel_loop3A_104 = tpu.vector_load %arg9[%parallel_loop3A_103] {strides = array<i32>} : memref<4000xi32, #tpu.memory_space<vmem>>, vector<16xi32>,
        %parallel_loop3A_105 = tpu.vector_load_idx %arg7[%parallel_loop3A_104] : memref<50000xf32, #tpu.memory_space<vmem>>[vector<16xi32>], vector<16xf32>,
        %parallel_loop3A_106 = arith.index_cast %parallel_loop3A_102 : i32 to index
        %parallel_loop3A_107 = tpu.vector_load %arg13[%parallel_loop3A_106] {strides = array<i32>} : memref<4000xf32, #tpu.memory_space<vmem>>, vector<16xf32>,
        %parallel_loop3A_108 = arith.mulf %parallel_loop3A_105, %parallel_loop3A_107 : vector<16xf32>
        %parallel_loop3A_109 = arith.index_cast %parallel_loop3A_102 : i32 to index
        %parallel_loop3A_110 = tpu.vector_load %arg11[%parallel_loop3A_109] {strides = array<i32>} : memref<4000xi32, #tpu.memory_space<vmem>>, vector<16xi32>,
        tpu.vector_store_idx %arg8[%parallel_loop3A_110], %parallel_loop3A_108 {add = true} : memref<50000xf32, #tpu.memory_space<vmem>>[vector<16xi32>], vector<16xf32>,
      } {sc.loop_unroll_factor = 8 : i64, sc.parallel_access}
      %add3A_69 = arith.constant 2 : i32
      %add3A_70 = arith.addi %add3A_54, %add3A_69 : i32
      %lt3A = arith.constant 400 : i32
      %lt3A_71 = arith.cmpi slt, %add3A_70, %lt3A : i32
      %convert_element_type3A = arith.extui %lt3A_71 : i1 to i32
      %cond3A = arith.constant 0 : i32
      %cond3A_72 = arith.cmpi ne, %convert_element_type3A, %cond3A : i32
      scf.if %cond3A_72 {
        %add3A_100 = arith.constant 2 : i32
        %add3A_101 = arith.addi %add3A_54, %add3A_100 : i32
        %mul3A_102 = arith.constant 1600000 : i32
        %mul3A_103 = arith.muli %select_n3A, %mul3A_102 : i32
        %mul3A_104 = arith.constant 4000 : i32
        %mul3A_105 = arith.muli %add3A_101, %mul3A_104 : i32
        %add3A_106 = arith.addi %mul3A_103, %mul3A_105 : i32
        %dma_start3A_107 = tpu.memref_slice %arg2[%add3A_106] : memref<6400000xi32, #tpu.memory_space<hbm>> -> memref<4000xi32, #tpu.memory_space<hbm>>
        %dma_start3A_108 = tpu.memref_slice %arg2[%add3A_106] : memref<6400000xi32, #tpu.memory_space<hbm>> -> memref<4000xi32, #tpu.memory_space<hbm>>
        tpu.enqueue_dma source(%dma_start3A_108 : memref<4000xi32, #tpu.memory_space<hbm>>) target(%arg9 : memref<4000xi32, #tpu.memory_space<vmem>>) target_semaphore(%arg15 : memref<!tpu.dma_semaphore, #tpu.memory_space<semaphore_mem>>)
        %dma_start3A_109 = tpu.memref_slice %arg3[%add3A_106] : memref<6400000xi32, #tpu.memory_space<hbm>> -> memref<4000xi32, #tpu.memory_space<hbm>>
        %dma_start3A_110 = tpu.memref_slice %arg3[%add3A_106] : memref<6400000xi32, #tpu.memory_space<hbm>> -> memref<4000xi32, #tpu.memory_space<hbm>>
        tpu.enqueue_dma source(%dma_start3A_110 : memref<4000xi32, #tpu.memory_space<hbm>>) target(%arg11 : memref<4000xi32, #tpu.memory_space<vmem>>) target_semaphore(%arg15 : memref<!tpu.dma_semaphore, #tpu.memory_space<semaphore_mem>>)
        %dma_start3A_111 = tpu.memref_slice %arg4[%add3A_106] : memref<6400000xf32, #tpu.memory_space<hbm>> -> memref<4000xf32, #tpu.memory_space<hbm>>
        %dma_start3A_112 = tpu.memref_slice %arg4[%add3A_106] : memref<6400000xf32, #tpu.memory_space<hbm>> -> memref<4000xf32, #tpu.memory_space<hbm>>
        tpu.enqueue_dma source(%dma_start3A_112 : memref<4000xf32, #tpu.memory_space<hbm>>) target(%arg13 : memref<4000xf32, #tpu.memory_space<vmem>>) target_semaphore(%arg15 : memref<!tpu.dma_semaphore, #tpu.memory_space<semaphore_mem>>)
      } else {
      }
      %mul3A_73 = arith.constant 2 : i32
      %mul3A_74 = arith.muli %scan3A_49, %mul3A_73 : i32
      %add3A_75 = arith.constant 1 : i32
      %add3A_76 = arith.addi %mul3A_74, %add3A_75 : i32
      %dma_wait3A_77 = arith.constant 0 : i32
      %dma_wait3A_78 = tpu.memref_slice %arg2[%dma_wait3A_77] : memref<6400000xi32, #tpu.memory_space<hbm>> -> memref<4000xi32, #tpu.memory_space<hbm>>
      %dma_wait3A_79 = arith.constant 0 : i32
      %dma_wait3A_80 = tpu.memref_slice %arg2[%dma_wait3A_79] : memref<6400000xi32, #tpu.memory_space<hbm>> -> memref<4000xi32, #tpu.memory_space<hbm>>
      tpu.wait_dma2 semaphore(%arg16 : memref<!tpu.dma_semaphore, #tpu.memory_space<semaphore_mem>>) src(%dma_wait3A_80 : memref<4000xi32, #tpu.memory_space<hbm>>) dst(%arg10 : memref<4000xi32, #tpu.memory_space<vmem>>)
      %dma_wait3A_81 = arith.constant 0 : i32
      %dma_wait3A_82 = tpu.memref_slice %arg3[%dma_wait3A_81] : memref<6400000xi32, #tpu.memory_space<hbm>> -> memref<4000xi32, #tpu.memory_space<hbm>>
      %dma_wait3A_83 = arith.constant 0 : i32
      %dma_wait3A_84 = tpu.memref_slice %arg3[%dma_wait3A_83] : memref<6400000xi32, #tpu.memory_space<hbm>> -> memref<4000xi32, #tpu.memory_space<hbm>>
      tpu.wait_dma2 semaphore(%arg16 : memref<!tpu.dma_semaphore, #tpu.memory_space<semaphore_mem>>) src(%dma_wait3A_84 : memref<4000xi32, #tpu.memory_space<hbm>>) dst(%arg12 : memref<4000xi32, #tpu.memory_space<vmem>>)
      %dma_wait3A_85 = arith.constant 0 : i32
      %dma_wait3A_86 = tpu.memref_slice %arg4[%dma_wait3A_85] : memref<6400000xf32, #tpu.memory_space<hbm>> -> memref<4000xf32, #tpu.memory_space<hbm>>
      %dma_wait3A_87 = arith.constant 0 : i32
      %dma_wait3A_88 = tpu.memref_slice %arg4[%dma_wait3A_87] : memref<6400000xf32, #tpu.memory_space<hbm>> -> memref<4000xf32, #tpu.memory_space<hbm>>
      tpu.wait_dma2 semaphore(%arg16 : memref<!tpu.dma_semaphore, #tpu.memory_space<semaphore_mem>>) src(%dma_wait3A_88 : memref<4000xf32, #tpu.memory_space<hbm>>) dst(%arg14 : memref<4000xf32, #tpu.memory_space<vmem>>)
      %parallel_loop3A_89 = arith.constant 0 : i32
      %parallel_loop3A_90 = arith.constant 250 : i32
      %parallel_loop3A_91 = arith.constant 1 : i32
      scf.for %parallel_loop3A_100 = %parallel_loop3A_89 to %parallel_loop3A_90 step %parallel_loop3A_91  : i32 {
        %parallel_loop3A_101 = arith.constant 16 : i32
        %parallel_loop3A_102 = arith.muli %parallel_loop3A_100, %parallel_loop3A_101 : i32
        %parallel_loop3A_103 = arith.index_cast %parallel_loop3A_102 : i32 to index
        %parallel_loop3A_104 = tpu.vector_load %arg10[%parallel_loop3A_103] {strides = array<i32>} : memref<4000xi32, #tpu.memory_space<vmem>>, vector<16xi32>,
        %parallel_loop3A_105 = tpu.vector_load_idx %arg7[%parallel_loop3A_104] : memref<50000xf32, #tpu.memory_space<vmem>>[vector<16xi32>], vector<16xf32>,
        %parallel_loop3A_106 = arith.index_cast %parallel_loop3A_102 : i32 to index
        %parallel_loop3A_107 = tpu.vector_load %arg14[%parallel_loop3A_106] {strides = array<i32>} : memref<4000xf32, #tpu.memory_space<vmem>>, vector<16xf32>,
        %parallel_loop3A_108 = arith.mulf %parallel_loop3A_105, %parallel_loop3A_107 : vector<16xf32>
        %parallel_loop3A_109 = arith.index_cast %parallel_loop3A_102 : i32 to index
        %parallel_loop3A_110 = tpu.vector_load %arg12[%parallel_loop3A_109] {strides = array<i32>} : memref<4000xi32, #tpu.memory_space<vmem>>, vector<16xi32>,
        tpu.vector_store_idx %arg8[%parallel_loop3A_110], %parallel_loop3A_108 {add = true} : memref<50000xf32, #tpu.memory_space<vmem>>[vector<16xi32>], vector<16xf32>,
      } {sc.loop_unroll_factor = 8 : i64, sc.parallel_access}
      %add3A_92 = arith.constant 2 : i32
      %add3A_93 = arith.addi %add3A_76, %add3A_92 : i32
      %lt3A_94 = arith.constant 400 : i32
      %lt3A_95 = arith.cmpi slt, %add3A_93, %lt3A_94 : i32
      %convert_element_type3A_96 = arith.extui %lt3A_95 : i1 to i32
      %cond3A_97 = arith.constant 0 : i32
      %cond3A_98 = arith.cmpi ne, %convert_element_type3A_96, %cond3A_97 : i32
      scf.if %cond3A_98 {
        %add3A_100 = arith.constant 2 : i32
        %add3A_101 = arith.addi %add3A_76, %add3A_100 : i32
        %mul3A_102 = arith.constant 1600000 : i32
        %mul3A_103 = arith.muli %select_n3A, %mul3A_102 : i32
        %mul3A_104 = arith.constant 4000 : i32
        %mul3A_105 = arith.muli %add3A_101, %mul3A_104 : i32
        %add3A_106 = arith.addi %mul3A_103, %mul3A_105 : i32
        %dma_start3A_107 = tpu.memref_slice %arg2[%add3A_106] : memref<6400000xi32, #tpu.memory_space<hbm>> -> memref<4000xi32, #tpu.memory_space<hbm>>
        %dma_start3A_108 = tpu.memref_slice %arg2[%add3A_106] : memref<6400000xi32, #tpu.memory_space<hbm>> -> memref<4000xi32, #tpu.memory_space<hbm>>
        tpu.enqueue_dma source(%dma_start3A_108 : memref<4000xi32, #tpu.memory_space<hbm>>) target(%arg10 : memref<4000xi32, #tpu.memory_space<vmem>>) target_semaphore(%arg16 : memref<!tpu.dma_semaphore, #tpu.memory_space<semaphore_mem>>)
        %dma_start3A_109 = tpu.memref_slice %arg3[%add3A_106] : memref<6400000xi32, #tpu.memory_space<hbm>> -> memref<4000xi32, #tpu.memory_space<hbm>>
        %dma_start3A_110 = tpu.memref_slice %arg3[%add3A_106] : memref<6400000xi32, #tpu.memory_space<hbm>> -> memref<4000xi32, #tpu.memory_space<hbm>>
        tpu.enqueue_dma source(%dma_start3A_110 : memref<4000xi32, #tpu.memory_space<hbm>>) target(%arg12 : memref<4000xi32, #tpu.memory_space<vmem>>) target_semaphore(%arg16 : memref<!tpu.dma_semaphore, #tpu.memory_space<semaphore_mem>>)
        %dma_start3A_111 = tpu.memref_slice %arg4[%add3A_106] : memref<6400000xf32, #tpu.memory_space<hbm>> -> memref<4000xf32, #tpu.memory_space<hbm>>
        %dma_start3A_112 = tpu.memref_slice %arg4[%add3A_106] : memref<6400000xf32, #tpu.memory_space<hbm>> -> memref<4000xf32, #tpu.memory_space<hbm>>
        tpu.enqueue_dma source(%dma_start3A_112 : memref<4000xf32, #tpu.memory_space<hbm>>) target(%arg14 : memref<4000xf32, #tpu.memory_space<vmem>>) target_semaphore(%arg16 : memref<!tpu.dma_semaphore, #tpu.memory_space<semaphore_mem>>)
      } else {
      }
      %scan3A_99 = arith.constant 0 : i32
      scf.yield %scan3A_99 : i32
    }
    %scan3A_46 = arith.constant 200 : i32
    %mul3A_47 = arith.constant 50000 : i32
    %mul3A_48 = arith.muli %add3A, %mul3A_47 : i32
    "tpu.region"() ({
      %run_scoped3A = tpu.sem_alloc : memref<!tpu.dma_semaphore, #tpu.memory_space<semaphore_mem>>
      %dma_start3A_49 = tpu.memref_slice %arg6[%mul3A_48] : memref<1600000xf32, #tpu.memory_space<hbm>> -> memref<50000xf32, #tpu.memory_space<hbm>>
      %dma_start3A_50 = tpu.memref_slice %arg6[%mul3A_48] : memref<1600000xf32, #tpu.memory_space<hbm>> -> memref<50000xf32, #tpu.memory_space<hbm>>
      tpu.enqueue_dma source(%arg8 : memref<50000xf32, #tpu.memory_space<vmem>>) target(%dma_start3A_50 : memref<50000xf32, #tpu.memory_space<hbm>>) target_semaphore(%run_scoped3A : memref<!tpu.dma_semaphore, #tpu.memory_space<semaphore_mem>>)
      %dma_wait3A = tpu.memref_slice %arg6[%mul3A_48] : memref<1600000xf32, #tpu.memory_space<hbm>> -> memref<50000xf32, #tpu.memory_space<hbm>>
      %dma_wait3A_51 = tpu.memref_slice %arg6[%mul3A_48] : memref<1600000xf32, #tpu.memory_space<hbm>> -> memref<50000xf32, #tpu.memory_space<hbm>>
      tpu.wait_dma2 semaphore(%run_scoped3A : memref<!tpu.dma_semaphore, #tpu.memory_space<semaphore_mem>>) src(%arg8 : memref<50000xf32, #tpu.memory_space<vmem>>) dst(%dma_wait3A_51 : memref<50000xf32, #tpu.memory_space<hbm>>)
      tpu.yield
    }) : () -> ()
    return
  }
}

#map = affine_map<(d0, d1) -> (0)>
module attributes {stable_mosaic.version = 14 : i64} {
  func.func @_sc_aggregate(%arg0: i32, %arg1: i32, %arg2: memref<6400000xi32, #tpu.memory_space<hbm>>, %arg3: memref<6400000xi32, #tpu.memory_space<hbm>>, %arg4: memref<6400000xf32, #tpu.memory_space<hbm>>, %arg5: memref<1600000xf32, #tpu.memory_space<hbm>>, %arg6: memref<1600000xf32, #tpu.memory_space<hbm>>, %arg7: memref<50000xf32, #tpu.memory_space<vmem>>, %arg8: memref<50000xf32, #tpu.memory_space<vmem>>, %arg9: memref<4000xi32, #tpu.memory_space<vmem>>, %arg10: memref<4000xi32, #tpu.memory_space<vmem>>, %arg11: memref<4000xi32, #tpu.memory_space<vmem>>, %arg12: memref<4000xi32, #tpu.memory_space<vmem>>, %arg13: memref<4000xf32, #tpu.memory_space<vmem>>, %arg14: memref<4000xf32, #tpu.memory_space<vmem>>, %arg15: memref<!tpu.dma_semaphore, #tpu.memory_space<semaphore_mem>>, %arg16: memref<!tpu.dma_semaphore, #tpu.memory_space<semaphore_mem>>) attributes {dimension_semantics = [#tpu.dimension_semantics<core_parallel>, #tpu.dimension_semantics<subcore_parallel>], iteration_bounds = array<i64: 2, 16>, scalar_prefetch = 0 : i64, scratch_operands = 10 : i64, tpu.core_type = #tpu.core_type<sc_vector_subcore>, window_params = [{transform_indices = #map}, {transform_indices = #map}, {transform_indices = #map}, {transform_indices = #map}, {transform_indices = #map}]} {
    %mul3A = arith.constant 2 : i32
    %mul3A_0 = arith.muli %arg1, %mul3A : i32
    %add3A = arith.addi %mul3A_0, %arg0 : i32
    %jit3A = arith.constant 8 : i32
    %div3A = arith.divsi %add3A, %jit3A : i32
    %sign3A = arith.constant 0 : i32
    %sign3A_1 = arith.cmpi sgt, %add3A, %sign3A : i32
    %sign3A_2 = arith.extui %sign3A_1 : i1 to i32
    %sign3A_3 = arith.constant 0 : i32
    %sign3A_4 = arith.cmpi slt, %add3A, %sign3A_3 : i32
    %sign3A_5 = arith.extui %sign3A_4 : i1 to i32
    %sign3A_6 = arith.subi %sign3A_2, %sign3A_5 : i32
    %sign3A_7 = arith.constant 0 : i32
    %sign3A_8 = arith.cmpi sgt, %jit3A, %sign3A_7 : i32
    %sign3A_9 = arith.extui %sign3A_8 : i1 to i32
    %sign3A_10 = arith.constant 0 : i32
    %sign3A_11 = arith.cmpi slt, %jit3A, %sign3A_10 : i32
    %sign3A_12 = arith.extui %sign3A_11 : i1 to i32
    %sign3A_13 = arith.subi %sign3A_9, %sign3A_12 : i32
    %ne3A = arith.cmpi ne, %sign3A_6, %sign3A_13 : i32
    %rem3A = arith.remsi %add3A, %jit3A : i32
    %ne3A_14 = arith.constant 0 : i32
    %ne3A_15 = arith.cmpi ne, %rem3A, %ne3A_14 : i32
    %and3A = arith.andi %ne3A, %ne3A_15 : i1
    %sub3A = arith.constant 1 : i32
    %sub3A_16 = arith.subi %div3A, %sub3A : i32
    %select_n3A = arith.select %and3A, %sub3A_16, %div3A : i32
    %mul3A_17 = arith.constant 1600000 : i32
    %mul3A_18 = arith.muli %select_n3A, %mul3A_17 : i32
    %add3A_19 = arith.constant 0 : i32
    %add3A_20 = arith.addi %mul3A_18, %add3A_19 : i32
    %dma_start3A = tpu.memref_slice %arg2[%add3A_20] : memref<6400000xi32, #tpu.memory_space<hbm>> -> memref<4000xi32, #tpu.memory_space<hbm>>
    %dma_start3A_21 = tpu.memref_slice %arg2[%add3A_20] : memref<6400000xi32, #tpu.memory_space<hbm>> -> memref<4000xi32, #tpu.memory_space<hbm>>
    tpu.enqueue_dma source(%dma_start3A_21 : memref<4000xi32, #tpu.memory_space<hbm>>) target(%arg9 : memref<4000xi32, #tpu.memory_space<vmem>>) target_semaphore(%arg15 : memref<!tpu.dma_semaphore, #tpu.memory_space<semaphore_mem>>)
    %dma_start3A_22 = tpu.memref_slice %arg3[%add3A_20] : memref<6400000xi32, #tpu.memory_space<hbm>> -> memref<4000xi32, #tpu.memory_space<hbm>>
    %dma_start3A_23 = tpu.memref_slice %arg3[%add3A_20] : memref<6400000xi32, #tpu.memory_space<hbm>> -> memref<4000xi32, #tpu.memory_space<hbm>>
    tpu.enqueue_dma source(%dma_start3A_23 : memref<4000xi32, #tpu.memory_space<hbm>>) target(%arg11 : memref<4000xi32, #tpu.memory_space<vmem>>) target_semaphore(%arg15 : memref<!tpu.dma_semaphore, #tpu.memory_space<semaphore_mem>>)
    %dma_start3A_24 = tpu.memref_slice %arg4[%add3A_20] : memref<6400000xf32, #tpu.memory_space<hbm>> -> memref<4000xf32, #tpu.memory_space<hbm>>
    %dma_start3A_25 = tpu.memref_slice %arg4[%add3A_20] : memref<6400000xf32, #tpu.memory_space<hbm>> -> memref<4000xf32, #tpu.memory_space<hbm>>
    tpu.enqueue_dma source(%dma_start3A_25 : memref<4000xf32, #tpu.memory_space<hbm>>) target(%arg13 : memref<4000xf32, #tpu.memory_space<vmem>>) target_semaphore(%arg15 : memref<!tpu.dma_semaphore, #tpu.memory_space<semaphore_mem>>)
    %mul3A_26 = arith.constant 1600000 : i32
    %mul3A_27 = arith.muli %select_n3A, %mul3A_26 : i32
    %add3A_28 = arith.constant 4000 : i32
    %add3A_29 = arith.addi %mul3A_27, %add3A_28 : i32
    %dma_start3A_30 = tpu.memref_slice %arg2[%add3A_29] : memref<6400000xi32, #tpu.memory_space<hbm>> -> memref<4000xi32, #tpu.memory_space<hbm>>
    %dma_start3A_31 = tpu.memref_slice %arg2[%add3A_29] : memref<6400000xi32, #tpu.memory_space<hbm>> -> memref<4000xi32, #tpu.memory_space<hbm>>
    tpu.enqueue_dma source(%dma_start3A_31 : memref<4000xi32, #tpu.memory_space<hbm>>) target(%arg10 : memref<4000xi32, #tpu.memory_space<vmem>>) target_semaphore(%arg16 : memref<!tpu.dma_semaphore, #tpu.memory_space<semaphore_mem>>)
    %dma_start3A_32 = tpu.memref_slice %arg3[%add3A_29] : memref<6400000xi32, #tpu.memory_space<hbm>> -> memref<4000xi32, #tpu.memory_space<hbm>>
    %dma_start3A_33 = tpu.memref_slice %arg3[%add3A_29] : memref<6400000xi32, #tpu.memory_space<hbm>> -> memref<4000xi32, #tpu.memory_space<hbm>>
    tpu.enqueue_dma source(%dma_start3A_33 : memref<4000xi32, #tpu.memory_space<hbm>>) target(%arg12 : memref<4000xi32, #tpu.memory_space<vmem>>) target_semaphore(%arg16 : memref<!tpu.dma_semaphore, #tpu.memory_space<semaphore_mem>>)
    %dma_start3A_34 = tpu.memref_slice %arg4[%add3A_29] : memref<6400000xf32, #tpu.memory_space<hbm>> -> memref<4000xf32, #tpu.memory_space<hbm>>
    %dma_start3A_35 = tpu.memref_slice %arg4[%add3A_29] : memref<6400000xf32, #tpu.memory_space<hbm>> -> memref<4000xf32, #tpu.memory_space<hbm>>
    tpu.enqueue_dma source(%dma_start3A_35 : memref<4000xf32, #tpu.memory_space<hbm>>) target(%arg14 : memref<4000xf32, #tpu.memory_space<vmem>>) target_semaphore(%arg16 : memref<!tpu.dma_semaphore, #tpu.memory_space<semaphore_mem>>)
    %mul3A_36 = arith.constant 50000 : i32
    %mul3A_37 = arith.muli %add3A, %mul3A_36 : i32
    "tpu.region"() ({
      %run_scoped3A = tpu.sem_alloc : memref<!tpu.dma_semaphore, #tpu.memory_space<semaphore_mem>>
      %dma_start3A_49 = tpu.memref_slice %arg5[%mul3A_37] : memref<1600000xf32, #tpu.memory_space<hbm>> -> memref<50000xf32, #tpu.memory_space<hbm>>
      %dma_start3A_50 = tpu.memref_slice %arg5[%mul3A_37] : memref<1600000xf32, #tpu.memory_space<hbm>> -> memref<50000xf32, #tpu.memory_space<hbm>>
      tpu.enqueue_dma source(%dma_start3A_50 : memref<50000xf32, #tpu.memory_space<hbm>>) target(%arg7 : memref<50000xf32, #tpu.memory_space<vmem>>) target_semaphore(%run_scoped3A : memref<!tpu.dma_semaphore, #tpu.memory_space<semaphore_mem>>)
      %dma_wait3A = tpu.memref_slice %arg5[%mul3A_37] : memref<1600000xf32, #tpu.memory_space<hbm>> -> memref<50000xf32, #tpu.memory_space<hbm>>
      %dma_wait3A_51 = tpu.memref_slice %arg5[%mul3A_37] : memref<1600000xf32, #tpu.memory_space<hbm>> -> memref<50000xf32, #tpu.memory_space<hbm>>
      tpu.wait_dma2 semaphore(%run_scoped3A : memref<!tpu.dma_semaphore, #tpu.memory_space<semaphore_mem>>) src(%dma_wait3A_51 : memref<50000xf32, #tpu.memory_space<hbm>>) dst(%arg7 : memref<50000xf32, #tpu.memory_space<vmem>>)
      tpu.yield
    }) : () -> ()
    %broadcast_in_dim3A = arith.constant 0.000000e+00 : f32
    %broadcast_in_dim3A_38 = vector.broadcast %broadcast_in_dim3A : f32 to vector<16xf32>
    %parallel_loop3A = arith.constant 0 : i32
    %parallel_loop3A_39 = arith.constant 3125 : i32
    %parallel_loop3A_40 = arith.constant 1 : i32
    scf.for %parallel_loop3A_49 = %parallel_loop3A to %parallel_loop3A_39 step %parallel_loop3A_40  : i32 {
      %parallel_loop3A_50 = arith.constant 16 : i32
      %parallel_loop3A_51 = arith.muli %parallel_loop3A_49, %parallel_loop3A_50 : i32
      %parallel_loop3A_52 = arith.index_cast %parallel_loop3A_51 : i32 to index
      %parallel_loop3A_53 = tpu.vector_load %arg8[%parallel_loop3A_52] {strides = array<i32>} : memref<50000xf32, #tpu.memory_space<vmem>>, vector<16xf32>,
      tpu.vector_store %arg8[%parallel_loop3A_52], %broadcast_in_dim3A_38 {strides = array<i32>} : memref<50000xf32, #tpu.memory_space<vmem>>, vector<16xf32>,
    } {sc.loop_unroll_factor = 8 : i64, sc.parallel_access}
    %scan3A = arith.constant 0 : i32
    %scan3A_41 = arith.constant 0 : i32
    %scan3A_42 = arith.constant 200 : i32
    %scan3A_43 = arith.addi %scan3A_41, %scan3A_42 : i32
    %scan3A_44 = arith.constant 1 : i32
    %scan3A_45 = scf.for %scan3A_49 = %scan3A_41 to %scan3A_43 step %scan3A_44 iter_args(%scan3A_50 = %scan3A) -> (i32)  : i32 {
      %mul3A_51 = arith.constant 2 : i32
      %mul3A_52 = arith.muli %scan3A_49, %mul3A_51 : i32
      %add3A_53 = arith.constant 0 : i32
      %add3A_54 = arith.addi %mul3A_52, %add3A_53 : i32
      %dma_wait3A = arith.constant 0 : i32
      %dma_wait3A_55 = tpu.memref_slice %arg2[%dma_wait3A] : memref<6400000xi32, #tpu.memory_space<hbm>> -> memref<4000xi32, #tpu.memory_space<hbm>>
      %dma_wait3A_56 = arith.constant 0 : i32
      %dma_wait3A_57 = tpu.memref_slice %arg2[%dma_wait3A_56] : memref<6400000xi32, #tpu.memory_space<hbm>> -> memref<4000xi32, #tpu.memory_space<hbm>>
      tpu.wait_dma2 semaphore(%arg15 : memref<!tpu.dma_semaphore, #tpu.memory_space<semaphore_mem>>) src(%dma_wait3A_57 : memref<4000xi32, #tpu.memory_space<hbm>>) dst(%arg9 : memref<4000xi32, #tpu.memory_space<vmem>>)
      %dma_wait3A_58 = arith.constant 0 : i32
      %dma_wait3A_59 = tpu.memref_slice %arg3[%dma_wait3A_58] : memref<6400000xi32, #tpu.memory_space<hbm>> -> memref<4000xi32, #tpu.memory_space<hbm>>
      %dma_wait3A_60 = arith.constant 0 : i32
      %dma_wait3A_61 = tpu.memref_slice %arg3[%dma_wait3A_60] : memref<6400000xi32, #tpu.memory_space<hbm>> -> memref<4000xi32, #tpu.memory_space<hbm>>
      tpu.wait_dma2 semaphore(%arg15 : memref<!tpu.dma_semaphore, #tpu.memory_space<semaphore_mem>>) src(%dma_wait3A_61 : memref<4000xi32, #tpu.memory_space<hbm>>) dst(%arg11 : memref<4000xi32, #tpu.memory_space<vmem>>)
      %dma_wait3A_62 = arith.constant 0 : i32
      %dma_wait3A_63 = tpu.memref_slice %arg4[%dma_wait3A_62] : memref<6400000xf32, #tpu.memory_space<hbm>> -> memref<4000xf32, #tpu.memory_space<hbm>>
      %dma_wait3A_64 = arith.constant 0 : i32
      %dma_wait3A_65 = tpu.memref_slice %arg4[%dma_wait3A_64] : memref<6400000xf32, #tpu.memory_space<hbm>> -> memref<4000xf32, #tpu.memory_space<hbm>>
      tpu.wait_dma2 semaphore(%arg15 : memref<!tpu.dma_semaphore, #tpu.memory_space<semaphore_mem>>) src(%dma_wait3A_65 : memref<4000xf32, #tpu.memory_space<hbm>>) dst(%arg13 : memref<4000xf32, #tpu.memory_space<vmem>>)
      %parallel_loop3A_66 = arith.constant 0 : i32
      %parallel_loop3A_67 = arith.constant 250 : i32
      %parallel_loop3A_68 = arith.constant 1 : i32
      scf.for %parallel_loop3A_100 = %parallel_loop3A_66 to %parallel_loop3A_67 step %parallel_loop3A_68  : i32 {
        %parallel_loop3A_101 = arith.constant 16 : i32
        %parallel_loop3A_102 = arith.muli %parallel_loop3A_100, %parallel_loop3A_101 : i32
        %parallel_loop3A_103 = arith.index_cast %parallel_loop3A_102 : i32 to index
        %parallel_loop3A_104 = tpu.vector_load %arg9[%parallel_loop3A_103] {strides = array<i32>} : memref<4000xi32, #tpu.memory_space<vmem>>, vector<16xi32>,
        %parallel_loop3A_105 = tpu.vector_load_idx %arg7[%parallel_loop3A_104] : memref<50000xf32, #tpu.memory_space<vmem>>[vector<16xi32>], vector<16xf32>,
        %parallel_loop3A_106 = arith.index_cast %parallel_loop3A_102 : i32 to index
        %parallel_loop3A_107 = tpu.vector_load %arg13[%parallel_loop3A_106] {strides = array<i32>} : memref<4000xf32, #tpu.memory_space<vmem>>, vector<16xf32>,
        %parallel_loop3A_108 = arith.mulf %parallel_loop3A_105, %parallel_loop3A_107 : vector<16xf32>
        %parallel_loop3A_109 = arith.index_cast %parallel_loop3A_102 : i32 to index
        %parallel_loop3A_110 = tpu.vector_load %arg11[%parallel_loop3A_109] {strides = array<i32>} : memref<4000xi32, #tpu.memory_space<vmem>>, vector<16xi32>,
        tpu.vector_store_idx %arg8[%parallel_loop3A_110], %parallel_loop3A_108 {add = true} : memref<50000xf32, #tpu.memory_space<vmem>>[vector<16xi32>], vector<16xf32>,
      } {sc.loop_unroll_factor = 8 : i64, sc.parallel_access}
      %add3A_69 = arith.constant 2 : i32
      %add3A_70 = arith.addi %add3A_54, %add3A_69 : i32
      %lt3A = arith.constant 400 : i32
      %lt3A_71 = arith.cmpi slt, %add3A_70, %lt3A : i32
      %convert_element_type3A = arith.extui %lt3A_71 : i1 to i32
      %cond3A = arith.constant 0 : i32
      %cond3A_72 = arith.cmpi ne, %convert_element_type3A, %cond3A : i32
      scf.if %cond3A_72 {
        %add3A_100 = arith.constant 2 : i32
        %add3A_101 = arith.addi %add3A_54, %add3A_100 : i32
        %mul3A_102 = arith.constant 1600000 : i32
        %mul3A_103 = arith.muli %select_n3A, %mul3A_102 : i32
        %mul3A_104 = arith.constant 4000 : i32
        %mul3A_105 = arith.muli %add3A_101, %mul3A_104 : i32
        %add3A_106 = arith.addi %mul3A_103, %mul3A_105 : i32
        %dma_start3A_107 = tpu.memref_slice %arg2[%add3A_106] : memref<6400000xi32, #tpu.memory_space<hbm>> -> memref<4000xi32, #tpu.memory_space<hbm>>
        %dma_start3A_108 = tpu.memref_slice %arg2[%add3A_106] : memref<6400000xi32, #tpu.memory_space<hbm>> -> memref<4000xi32, #tpu.memory_space<hbm>>
        tpu.enqueue_dma source(%dma_start3A_108 : memref<4000xi32, #tpu.memory_space<hbm>>) target(%arg9 : memref<4000xi32, #tpu.memory_space<vmem>>) target_semaphore(%arg15 : memref<!tpu.dma_semaphore, #tpu.memory_space<semaphore_mem>>)
        %dma_start3A_109 = tpu.memref_slice %arg3[%add3A_106] : memref<6400000xi32, #tpu.memory_space<hbm>> -> memref<4000xi32, #tpu.memory_space<hbm>>
        %dma_start3A_110 = tpu.memref_slice %arg3[%add3A_106] : memref<6400000xi32, #tpu.memory_space<hbm>> -> memref<4000xi32, #tpu.memory_space<hbm>>
        tpu.enqueue_dma source(%dma_start3A_110 : memref<4000xi32, #tpu.memory_space<hbm>>) target(%arg11 : memref<4000xi32, #tpu.memory_space<vmem>>) target_semaphore(%arg15 : memref<!tpu.dma_semaphore, #tpu.memory_space<semaphore_mem>>)
        %dma_start3A_111 = tpu.memref_slice %arg4[%add3A_106] : memref<6400000xf32, #tpu.memory_space<hbm>> -> memref<4000xf32, #tpu.memory_space<hbm>>
        %dma_start3A_112 = tpu.memref_slice %arg4[%add3A_106] : memref<6400000xf32, #tpu.memory_space<hbm>> -> memref<4000xf32, #tpu.memory_space<hbm>>
        tpu.enqueue_dma source(%dma_start3A_112 : memref<4000xf32, #tpu.memory_space<hbm>>) target(%arg13 : memref<4000xf32, #tpu.memory_space<vmem>>) target_semaphore(%arg15 : memref<!tpu.dma_semaphore, #tpu.memory_space<semaphore_mem>>)
      } else {
      }
      %mul3A_73 = arith.constant 2 : i32
      %mul3A_74 = arith.muli %scan3A_49, %mul3A_73 : i32
      %add3A_75 = arith.constant 1 : i32
      %add3A_76 = arith.addi %mul3A_74, %add3A_75 : i32
      %dma_wait3A_77 = arith.constant 0 : i32
      %dma_wait3A_78 = tpu.memref_slice %arg2[%dma_wait3A_77] : memref<6400000xi32, #tpu.memory_space<hbm>> -> memref<4000xi32, #tpu.memory_space<hbm>>
      %dma_wait3A_79 = arith.constant 0 : i32
      %dma_wait3A_80 = tpu.memref_slice %arg2[%dma_wait3A_79] : memref<6400000xi32, #tpu.memory_space<hbm>> -> memref<4000xi32, #tpu.memory_space<hbm>>
      tpu.wait_dma2 semaphore(%arg16 : memref<!tpu.dma_semaphore, #tpu.memory_space<semaphore_mem>>) src(%dma_wait3A_80 : memref<4000xi32, #tpu.memory_space<hbm>>) dst(%arg10 : memref<4000xi32, #tpu.memory_space<vmem>>)
      %dma_wait3A_81 = arith.constant 0 : i32
      %dma_wait3A_82 = tpu.memref_slice %arg3[%dma_wait3A_81] : memref<6400000xi32, #tpu.memory_space<hbm>> -> memref<4000xi32, #tpu.memory_space<hbm>>
      %dma_wait3A_83 = arith.constant 0 : i32
      %dma_wait3A_84 = tpu.memref_slice %arg3[%dma_wait3A_83] : memref<6400000xi32, #tpu.memory_space<hbm>> -> memref<4000xi32, #tpu.memory_space<hbm>>
      tpu.wait_dma2 semaphore(%arg16 : memref<!tpu.dma_semaphore, #tpu.memory_space<semaphore_mem>>) src(%dma_wait3A_84 : memref<4000xi32, #tpu.memory_space<hbm>>) dst(%arg12 : memref<4000xi32, #tpu.memory_space<vmem>>)
      %dma_wait3A_85 = arith.constant 0 : i32
      %dma_wait3A_86 = tpu.memref_slice %arg4[%dma_wait3A_85] : memref<6400000xf32, #tpu.memory_space<hbm>> -> memref<4000xf32, #tpu.memory_space<hbm>>
      %dma_wait3A_87 = arith.constant 0 : i32
      %dma_wait3A_88 = tpu.memref_slice %arg4[%dma_wait3A_87] : memref<6400000xf32, #tpu.memory_space<hbm>> -> memref<4000xf32, #tpu.memory_space<hbm>>
      tpu.wait_dma2 semaphore(%arg16 : memref<!tpu.dma_semaphore, #tpu.memory_space<semaphore_mem>>) src(%dma_wait3A_88 : memref<4000xf32, #tpu.memory_space<hbm>>) dst(%arg14 : memref<4000xf32, #tpu.memory_space<vmem>>)
      %parallel_loop3A_89 = arith.constant 0 : i32
      %parallel_loop3A_90 = arith.constant 250 : i32
      %parallel_loop3A_91 = arith.constant 1 : i32
      scf.for %parallel_loop3A_100 = %parallel_loop3A_89 to %parallel_loop3A_90 step %parallel_loop3A_91  : i32 {
        %parallel_loop3A_101 = arith.constant 16 : i32
        %parallel_loop3A_102 = arith.muli %parallel_loop3A_100, %parallel_loop3A_101 : i32
        %parallel_loop3A_103 = arith.index_cast %parallel_loop3A_102 : i32 to index
        %parallel_loop3A_104 = tpu.vector_load %arg10[%parallel_loop3A_103] {strides = array<i32>} : memref<4000xi32, #tpu.memory_space<vmem>>, vector<16xi32>,
        %parallel_loop3A_105 = tpu.vector_load_idx %arg7[%parallel_loop3A_104] : memref<50000xf32, #tpu.memory_space<vmem>>[vector<16xi32>], vector<16xf32>,
        %parallel_loop3A_106 = arith.index_cast %parallel_loop3A_102 : i32 to index
        %parallel_loop3A_107 = tpu.vector_load %arg14[%parallel_loop3A_106] {strides = array<i32>} : memref<4000xf32, #tpu.memory_space<vmem>>, vector<16xf32>,
        %parallel_loop3A_108 = arith.mulf %parallel_loop3A_105, %parallel_loop3A_107 : vector<16xf32>
        %parallel_loop3A_109 = arith.index_cast %parallel_loop3A_102 : i32 to index
        %parallel_loop3A_110 = tpu.vector_load %arg12[%parallel_loop3A_109] {strides = array<i32>} : memref<4000xi32, #tpu.memory_space<vmem>>, vector<16xi32>,
        tpu.vector_store_idx %arg8[%parallel_loop3A_110], %parallel_loop3A_108 {add = true} : memref<50000xf32, #tpu.memory_space<vmem>>[vector<16xi32>], vector<16xf32>,
      } {sc.loop_unroll_factor = 8 : i64, sc.parallel_access}
      %add3A_92 = arith.constant 2 : i32
      %add3A_93 = arith.addi %add3A_76, %add3A_92 : i32
      %lt3A_94 = arith.constant 400 : i32
      %lt3A_95 = arith.cmpi slt, %add3A_93, %lt3A_94 : i32
      %convert_element_type3A_96 = arith.extui %lt3A_95 : i1 to i32
      %cond3A_97 = arith.constant 0 : i32
      %cond3A_98 = arith.cmpi ne, %convert_element_type3A_96, %cond3A_97 : i32
      scf.if %cond3A_98 {
        %add3A_100 = arith.constant 2 : i32
        %add3A_101 = arith.addi %add3A_76, %add3A_100 : i32
        %mul3A_102 = arith.constant 1600000 : i32
        %mul3A_103 = arith.muli %select_n3A, %mul3A_102 : i32
        %mul3A_104 = arith.constant 4000 : i32
        %mul3A_105 = arith.muli %add3A_101, %mul3A_104 : i32
        %add3A_106 = arith.addi %mul3A_103, %mul3A_105 : i32
        %dma_start3A_107 = tpu.memref_slice %arg2[%add3A_106] : memref<6400000xi32, #tpu.memory_space<hbm>> -> memref<4000xi32, #tpu.memory_space<hbm>>
        %dma_start3A_108 = tpu.memref_slice %arg2[%add3A_106] : memref<6400000xi32, #tpu.memory_space<hbm>> -> memref<4000xi32, #tpu.memory_space<hbm>>
        tpu.enqueue_dma source(%dma_start3A_108 : memref<4000xi32, #tpu.memory_space<hbm>>) target(%arg10 : memref<4000xi32, #tpu.memory_space<vmem>>) target_semaphore(%arg16 : memref<!tpu.dma_semaphore, #tpu.memory_space<semaphore_mem>>)
        %dma_start3A_109 = tpu.memref_slice %arg3[%add3A_106] : memref<6400000xi32, #tpu.memory_space<hbm>> -> memref<4000xi32, #tpu.memory_space<hbm>>
        %dma_start3A_110 = tpu.memref_slice %arg3[%add3A_106] : memref<6400000xi32, #tpu.memory_space<hbm>> -> memref<4000xi32, #tpu.memory_space<hbm>>
        tpu.enqueue_dma source(%dma_start3A_110 : memref<4000xi32, #tpu.memory_space<hbm>>) target(%arg12 : memref<4000xi32, #tpu.memory_space<vmem>>) target_semaphore(%arg16 : memref<!tpu.dma_semaphore, #tpu.memory_space<semaphore_mem>>)
        %dma_start3A_111 = tpu.memref_slice %arg4[%add3A_106] : memref<6400000xf32, #tpu.memory_space<hbm>> -> memref<4000xf32, #tpu.memory_space<hbm>>
        %dma_start3A_112 = tpu.memref_slice %arg4[%add3A_106] : memref<6400000xf32, #tpu.memory_space<hbm>> -> memref<4000xf32, #tpu.memory_space<hbm>>
        tpu.enqueue_dma source(%dma_start3A_112 : memref<4000xf32, #tpu.memory_space<hbm>>) target(%arg14 : memref<4000xf32, #tpu.memory_space<vmem>>) target_semaphore(%arg16 : memref<!tpu.dma_semaphore, #tpu.memory_space<semaphore_mem>>)
      } else {
      }
      %scan3A_99 = arith.constant 0 : i32
      scf.yield %scan3A_99 : i32
    }
    %scan3A_46 = arith.constant 200 : i32
    %mul3A_47 = arith.constant 50000 : i32
    %mul3A_48 = arith.muli %add3A, %mul3A_47 : i32
    "tpu.region"() ({
      %run_scoped3A = tpu.sem_alloc : memref<!tpu.dma_semaphore, #tpu.memory_space<semaphore_mem>>
      %dma_start3A_49 = tpu.memref_slice %arg6[%mul3A_48] : memref<1600000xf32, #tpu.memory_space<hbm>> -> memref<50000xf32, #tpu.memory_space<hbm>>
      %dma_start3A_50 = tpu.memref_slice %arg6[%mul3A_48] : memref<1600000xf32, #tpu.memory_space<hbm>> -> memref<50000xf32, #tpu.memory_space<hbm>>
      tpu.enqueue_dma source(%arg8 : memref<50000xf32, #tpu.memory_space<vmem>>) target(%dma_start3A_50 : memref<50000xf32, #tpu.memory_space<hbm>>) target_semaphore(%run_scoped3A : memref<!tpu.dma_semaphore, #tpu.memory_space<semaphore_mem>>)
      %dma_wait3A = tpu.memref_slice %arg6[%mul3A_48] : memref<1600000xf32, #tpu.memory_space<hbm>> -> memref<50000xf32, #tpu.memory_space<hbm>>
      %dma_wait3A_51 = tpu.memref_slice %arg6[%mul3A_48] : memref<1600000xf32, #tpu.memory_space<hbm>> -> memref<50000xf32, #tpu.memory_space<hbm>>
      tpu.wait_dma2 semaphore(%run_scoped3A : memref<!tpu.dma_semaphore, #tpu.memory_space<semaphore_mem>>) src(%arg8 : memref<50000xf32, #tpu.memory_space<vmem>>) dst(%dma_wait3A_51 : memref<50000xf32, #tpu.memory_space<hbm>>)
      tpu.yield
    }) : () -> ()
    return
  }
}

#map = affine_map<(d0, d1) -> (0)>
module attributes {stable_mosaic.version = 14 : i64} {
  func.func @_sc_degrees(%arg0: i32, %arg1: i32, %arg2: memref<6400000xi32, #tpu.memory_space<hbm>>, %arg3: memref<6400000xi32, #tpu.memory_space<hbm>>, %arg4: memref<1600000xf32, #tpu.memory_space<hbm>>, %arg5: memref<1600000xf32, #tpu.memory_space<hbm>>, %arg6: memref<50000xf32, #tpu.memory_space<vmem>>, %arg7: memref<50000xf32, #tpu.memory_space<vmem>>, %arg8: memref<4000xi32, #tpu.memory_space<vmem>>, %arg9: memref<4000xi32, #tpu.memory_space<vmem>>, %arg10: memref<4000xi32, #tpu.memory_space<vmem>>, %arg11: memref<4000xi32, #tpu.memory_space<vmem>>, %arg12: memref<!tpu.dma_semaphore, #tpu.memory_space<semaphore_mem>>, %arg13: memref<!tpu.dma_semaphore, #tpu.memory_space<semaphore_mem>>) attributes {dimension_semantics = [#tpu.dimension_semantics<core_parallel>, #tpu.dimension_semantics<subcore_parallel>], iteration_bounds = array<i64: 2, 16>, scalar_prefetch = 0 : i64, scratch_operands = 8 : i64, tpu.core_type = #tpu.core_type<sc_vector_subcore>, window_params = [{transform_indices = #map}, {transform_indices = #map}, {transform_indices = #map}, {transform_indices = #map}]} {
    %mul3A = arith.constant 2 : i32
    %mul3A_0 = arith.muli %arg1, %mul3A : i32
    %add3A = arith.addi %mul3A_0, %arg0 : i32
    %jit3A = arith.constant 8 : i32
    %div3A = arith.divsi %add3A, %jit3A : i32
    %sign3A = arith.constant 0 : i32
    %sign3A_1 = arith.cmpi sgt, %add3A, %sign3A : i32
    %sign3A_2 = arith.extui %sign3A_1 : i1 to i32
    %sign3A_3 = arith.constant 0 : i32
    %sign3A_4 = arith.cmpi slt, %add3A, %sign3A_3 : i32
    %sign3A_5 = arith.extui %sign3A_4 : i1 to i32
    %sign3A_6 = arith.subi %sign3A_2, %sign3A_5 : i32
    %sign3A_7 = arith.constant 0 : i32
    %sign3A_8 = arith.cmpi sgt, %jit3A, %sign3A_7 : i32
    %sign3A_9 = arith.extui %sign3A_8 : i1 to i32
    %sign3A_10 = arith.constant 0 : i32
    %sign3A_11 = arith.cmpi slt, %jit3A, %sign3A_10 : i32
    %sign3A_12 = arith.extui %sign3A_11 : i1 to i32
    %sign3A_13 = arith.subi %sign3A_9, %sign3A_12 : i32
    %ne3A = arith.cmpi ne, %sign3A_6, %sign3A_13 : i32
    %rem3A = arith.remsi %add3A, %jit3A : i32
    %ne3A_14 = arith.constant 0 : i32
    %ne3A_15 = arith.cmpi ne, %rem3A, %ne3A_14 : i32
    %and3A = arith.andi %ne3A, %ne3A_15 : i1
    %sub3A = arith.constant 1 : i32
    %sub3A_16 = arith.subi %div3A, %sub3A : i32
    %select_n3A = arith.select %and3A, %sub3A_16, %div3A : i32
    %mul3A_17 = arith.constant 1600000 : i32
    %mul3A_18 = arith.muli %select_n3A, %mul3A_17 : i32
    %jit3A_19 = arith.constant 8 : i32
    %eq3A = arith.constant 0 : i32
    %eq3A_20 = arith.cmpi eq, %jit3A_19, %eq3A : i32
    %jit3A_21 = arith.constant 1 : i32
    %select_n3A_22 = arith.select %eq3A_20, %jit3A_21, %jit3A_19 : i32
    %rem3A_23 = arith.remsi %add3A, %select_n3A_22 : i32
    %ne3A_24 = arith.constant 0 : i32
    %ne3A_25 = arith.cmpi ne, %rem3A_23, %ne3A_24 : i32
    %lt3A = arith.constant 0 : i32
    %lt3A_26 = arith.cmpi slt, %rem3A_23, %lt3A : i32
    %lt3A_27 = arith.constant 0 : i32
    %lt3A_28 = arith.cmpi slt, %select_n3A_22, %lt3A_27 : i32
    %ne3A_29 = arith.xori %lt3A_26, %lt3A_28 : i1
    %and3A_30 = arith.andi %ne3A_29, %ne3A_25 : i1
    %add3A_31 = arith.addi %rem3A_23, %select_n3A_22 : i32
    %select_n3A_32 = arith.select %and3A_30, %add3A_31, %rem3A_23 : i32
    %mul3A_33 = arith.constant 200000 : i32
    %mul3A_34 = arith.muli %select_n3A_32, %mul3A_33 : i32
    %add3A_35 = arith.addi %mul3A_18, %mul3A_34 : i32
    %add3A_36 = arith.constant 0 : i32
    %add3A_37 = arith.addi %add3A_35, %add3A_36 : i32
    %dma_start3A = tpu.memref_slice %arg2[%add3A_37] : memref<6400000xi32, #tpu.memory_space<hbm>> -> memref<4000xi32, #tpu.memory_space<hbm>>
    %dma_start3A_38 = tpu.memref_slice %arg2[%add3A_37] : memref<6400000xi32, #tpu.memory_space<hbm>> -> memref<4000xi32, #tpu.memory_space<hbm>>
    tpu.enqueue_dma source(%dma_start3A_38 : memref<4000xi32, #tpu.memory_space<hbm>>) target(%arg8 : memref<4000xi32, #tpu.memory_space<vmem>>) target_semaphore(%arg12 : memref<!tpu.dma_semaphore, #tpu.memory_space<semaphore_mem>>)
    %dma_start3A_39 = tpu.memref_slice %arg3[%add3A_37] : memref<6400000xi32, #tpu.memory_space<hbm>> -> memref<4000xi32, #tpu.memory_space<hbm>>
    %dma_start3A_40 = tpu.memref_slice %arg3[%add3A_37] : memref<6400000xi32, #tpu.memory_space<hbm>> -> memref<4000xi32, #tpu.memory_space<hbm>>
    tpu.enqueue_dma source(%dma_start3A_40 : memref<4000xi32, #tpu.memory_space<hbm>>) target(%arg10 : memref<4000xi32, #tpu.memory_space<vmem>>) target_semaphore(%arg12 : memref<!tpu.dma_semaphore, #tpu.memory_space<semaphore_mem>>)
    %add3A_41 = arith.constant 4000 : i32
    %add3A_42 = arith.addi %add3A_35, %add3A_41 : i32
    %dma_start3A_43 = tpu.memref_slice %arg2[%add3A_42] : memref<6400000xi32, #tpu.memory_space<hbm>> -> memref<4000xi32, #tpu.memory_space<hbm>>
    %dma_start3A_44 = tpu.memref_slice %arg2[%add3A_42] : memref<6400000xi32, #tpu.memory_space<hbm>> -> memref<4000xi32, #tpu.memory_space<hbm>>
    tpu.enqueue_dma source(%dma_start3A_44 : memref<4000xi32, #tpu.memory_space<hbm>>) target(%arg9 : memref<4000xi32, #tpu.memory_space<vmem>>) target_semaphore(%arg13 : memref<!tpu.dma_semaphore, #tpu.memory_space<semaphore_mem>>)
    %dma_start3A_45 = tpu.memref_slice %arg3[%add3A_42] : memref<6400000xi32, #tpu.memory_space<hbm>> -> memref<4000xi32, #tpu.memory_space<hbm>>
    %dma_start3A_46 = tpu.memref_slice %arg3[%add3A_42] : memref<6400000xi32, #tpu.memory_space<hbm>> -> memref<4000xi32, #tpu.memory_space<hbm>>
    tpu.enqueue_dma source(%dma_start3A_46 : memref<4000xi32, #tpu.memory_space<hbm>>) target(%arg11 : memref<4000xi32, #tpu.memory_space<vmem>>) target_semaphore(%arg13 : memref<!tpu.dma_semaphore, #tpu.memory_space<semaphore_mem>>)
    %broadcast_in_dim3A = arith.constant 0.000000e+00 : f32
    %broadcast_in_dim3A_47 = vector.broadcast %broadcast_in_dim3A : f32 to vector<16xf32>
    %parallel_loop3A = arith.constant 0 : i32
    %parallel_loop3A_48 = arith.constant 3125 : i32
    %parallel_loop3A_49 = arith.constant 1 : i32
    scf.for %parallel_loop3A_67 = %parallel_loop3A to %parallel_loop3A_48 step %parallel_loop3A_49  : i32 {
      %parallel_loop3A_68 = arith.constant 16 : i32
      %parallel_loop3A_69 = arith.muli %parallel_loop3A_67, %parallel_loop3A_68 : i32
      %parallel_loop3A_70 = arith.index_cast %parallel_loop3A_69 : i32 to index
      %parallel_loop3A_71 = tpu.vector_load %arg6[%parallel_loop3A_70] {strides = array<i32>} : memref<50000xf32, #tpu.memory_space<vmem>>, vector<16xf32>,
      tpu.vector_store %arg6[%parallel_loop3A_70], %broadcast_in_dim3A_47 {strides = array<i32>} : memref<50000xf32, #tpu.memory_space<vmem>>, vector<16xf32>,
    } {sc.loop_unroll_factor = 8 : i64, sc.parallel_access}
    %broadcast_in_dim3A_50 = arith.constant 0.000000e+00 : f32
    %broadcast_in_dim3A_51 = vector.broadcast %broadcast_in_dim3A_50 : f32 to vector<16xf32>
    %parallel_loop3A_52 = arith.constant 0 : i32
    %parallel_loop3A_53 = arith.constant 3125 : i32
    %parallel_loop3A_54 = arith.constant 1 : i32
    scf.for %parallel_loop3A_67 = %parallel_loop3A_52 to %parallel_loop3A_53 step %parallel_loop3A_54  : i32 {
      %parallel_loop3A_68 = arith.constant 16 : i32
      %parallel_loop3A_69 = arith.muli %parallel_loop3A_67, %parallel_loop3A_68 : i32
      %parallel_loop3A_70 = arith.index_cast %parallel_loop3A_69 : i32 to index
      %parallel_loop3A_71 = tpu.vector_load %arg7[%parallel_loop3A_70] {strides = array<i32>} : memref<50000xf32, #tpu.memory_space<vmem>>, vector<16xf32>,
      tpu.vector_store %arg7[%parallel_loop3A_70], %broadcast_in_dim3A_51 {strides = array<i32>} : memref<50000xf32, #tpu.memory_space<vmem>>, vector<16xf32>,
    } {sc.loop_unroll_factor = 8 : i64, sc.parallel_access}
    %broadcast_in_dim3A_55 = arith.constant 1.000000e+00 : f32
    %broadcast_in_dim3A_56 = vector.broadcast %broadcast_in_dim3A_55 : f32 to vector<16xf32>
    %scan3A = arith.constant 0 : i32
    %scan3A_57 = arith.constant 0 : i32
    %scan3A_58 = arith.constant 25 : i32
    %scan3A_59 = arith.addi %scan3A_57, %scan3A_58 : i32
    %scan3A_60 = arith.constant 1 : i32
    %scan3A_61 = scf.for %scan3A_67 = %scan3A_57 to %scan3A_59 step %scan3A_60 iter_args(%scan3A_68 = %scan3A) -> (i32)  : i32 {
      %mul3A_69 = arith.constant 2 : i32
      %mul3A_70 = arith.muli %scan3A_67, %mul3A_69 : i32
      %add3A_71 = arith.constant 0 : i32
      %add3A_72 = arith.addi %mul3A_70, %add3A_71 : i32
      %dma_wait3A = arith.constant 0 : i32
      %dma_wait3A_73 = tpu.memref_slice %arg2[%dma_wait3A] : memref<6400000xi32, #tpu.memory_space<hbm>> -> memref<4000xi32, #tpu.memory_space<hbm>>
      %dma_wait3A_74 = arith.constant 0 : i32
      %dma_wait3A_75 = tpu.memref_slice %arg2[%dma_wait3A_74] : memref<6400000xi32, #tpu.memory_space<hbm>> -> memref<4000xi32, #tpu.memory_space<hbm>>
      tpu.wait_dma2 semaphore(%arg12 : memref<!tpu.dma_semaphore, #tpu.memory_space<semaphore_mem>>) src(%dma_wait3A_75 : memref<4000xi32, #tpu.memory_space<hbm>>) dst(%arg8 : memref<4000xi32, #tpu.memory_space<vmem>>)
      %dma_wait3A_76 = arith.constant 0 : i32
      %dma_wait3A_77 = tpu.memref_slice %arg3[%dma_wait3A_76] : memref<6400000xi32, #tpu.memory_space<hbm>> -> memref<4000xi32, #tpu.memory_space<hbm>>
      %dma_wait3A_78 = arith.constant 0 : i32
      %dma_wait3A_79 = tpu.memref_slice %arg3[%dma_wait3A_78] : memref<6400000xi32, #tpu.memory_space<hbm>> -> memref<4000xi32, #tpu.memory_space<hbm>>
      tpu.wait_dma2 semaphore(%arg12 : memref<!tpu.dma_semaphore, #tpu.memory_space<semaphore_mem>>) src(%dma_wait3A_79 : memref<4000xi32, #tpu.memory_space<hbm>>) dst(%arg10 : memref<4000xi32, #tpu.memory_space<vmem>>)
      %parallel_loop3A_80 = arith.constant 0 : i32
      %parallel_loop3A_81 = arith.constant 250 : i32
      %parallel_loop3A_82 = arith.constant 1 : i32
      scf.for %parallel_loop3A_111 = %parallel_loop3A_80 to %parallel_loop3A_81 step %parallel_loop3A_82  : i32 {
        %parallel_loop3A_112 = arith.constant 16 : i32
        %parallel_loop3A_113 = arith.muli %parallel_loop3A_111, %parallel_loop3A_112 : i32
        %parallel_loop3A_114 = arith.index_cast %parallel_loop3A_113 : i32 to index
        %parallel_loop3A_115 = tpu.vector_load %arg8[%parallel_loop3A_114] {strides = array<i32>} : memref<4000xi32, #tpu.memory_space<vmem>>, vector<16xi32>,
        tpu.vector_store_idx %arg6[%parallel_loop3A_115], %broadcast_in_dim3A_56 {add = true} : memref<50000xf32, #tpu.memory_space<vmem>>[vector<16xi32>], vector<16xf32>,
        %parallel_loop3A_116 = arith.index_cast %parallel_loop3A_113 : i32 to index
        %parallel_loop3A_117 = tpu.vector_load %arg10[%parallel_loop3A_116] {strides = array<i32>} : memref<4000xi32, #tpu.memory_space<vmem>>, vector<16xi32>,
        tpu.vector_store_idx %arg7[%parallel_loop3A_117], %broadcast_in_dim3A_56 {add = true} : memref<50000xf32, #tpu.memory_space<vmem>>[vector<16xi32>], vector<16xf32>,
      } {sc.loop_unroll_factor = 8 : i64, sc.parallel_access}
      %add3A_83 = arith.constant 2 : i32
      %add3A_84 = arith.addi %add3A_72, %add3A_83 : i32
      %lt3A_85 = arith.constant 50 : i32
      %lt3A_86 = arith.cmpi slt, %add3A_84, %lt3A_85 : i32
      %convert_element_type3A = arith.extui %lt3A_86 : i1 to i32
      %cond3A = arith.constant 0 : i32
      %cond3A_87 = arith.cmpi ne, %convert_element_type3A, %cond3A : i32
      scf.if %cond3A_87 {
        %add3A_111 = arith.constant 2 : i32
        %add3A_112 = arith.addi %add3A_72, %add3A_111 : i32
        %mul3A_113 = arith.constant 4000 : i32
        %mul3A_114 = arith.muli %add3A_112, %mul3A_113 : i32
        %add3A_115 = arith.addi %add3A_35, %mul3A_114 : i32
        %dma_start3A_116 = tpu.memref_slice %arg2[%add3A_115] : memref<6400000xi32, #tpu.memory_space<hbm>> -> memref<4000xi32, #tpu.memory_space<hbm>>
        %dma_start3A_117 = tpu.memref_slice %arg2[%add3A_115] : memref<6400000xi32, #tpu.memory_space<hbm>> -> memref<4000xi32, #tpu.memory_space<hbm>>
        tpu.enqueue_dma source(%dma_start3A_117 : memref<4000xi32, #tpu.memory_space<hbm>>) target(%arg8 : memref<4000xi32, #tpu.memory_space<vmem>>) target_semaphore(%arg12 : memref<!tpu.dma_semaphore, #tpu.memory_space<semaphore_mem>>)
        %dma_start3A_118 = tpu.memref_slice %arg3[%add3A_115] : memref<6400000xi32, #tpu.memory_space<hbm>> -> memref<4000xi32, #tpu.memory_space<hbm>>
        %dma_start3A_119 = tpu.memref_slice %arg3[%add3A_115] : memref<6400000xi32, #tpu.memory_space<hbm>> -> memref<4000xi32, #tpu.memory_space<hbm>>
        tpu.enqueue_dma source(%dma_start3A_119 : memref<4000xi32, #tpu.memory_space<hbm>>) target(%arg10 : memref<4000xi32, #tpu.memory_space<vmem>>) target_semaphore(%arg12 : memref<!tpu.dma_semaphore, #tpu.memory_space<semaphore_mem>>)
      } else {
      }
      %mul3A_88 = arith.constant 2 : i32
      %mul3A_89 = arith.muli %scan3A_67, %mul3A_88 : i32
      %add3A_90 = arith.constant 1 : i32
      %add3A_91 = arith.addi %mul3A_89, %add3A_90 : i32
      %dma_wait3A_92 = arith.constant 0 : i32
      %dma_wait3A_93 = tpu.memref_slice %arg2[%dma_wait3A_92] : memref<6400000xi32, #tpu.memory_space<hbm>> -> memref<4000xi32, #tpu.memory_space<hbm>>
      %dma_wait3A_94 = arith.constant 0 : i32
      %dma_wait3A_95 = tpu.memref_slice %arg2[%dma_wait3A_94] : memref<6400000xi32, #tpu.memory_space<hbm>> -> memref<4000xi32, #tpu.memory_space<hbm>>
      tpu.wait_dma2 semaphore(%arg13 : memref<!tpu.dma_semaphore, #tpu.memory_space<semaphore_mem>>) src(%dma_wait3A_95 : memref<4000xi32, #tpu.memory_space<hbm>>) dst(%arg9 : memref<4000xi32, #tpu.memory_space<vmem>>)
      %dma_wait3A_96 = arith.constant 0 : i32
      %dma_wait3A_97 = tpu.memref_slice %arg3[%dma_wait3A_96] : memref<6400000xi32, #tpu.memory_space<hbm>> -> memref<4000xi32, #tpu.memory_space<hbm>>
      %dma_wait3A_98 = arith.constant 0 : i32
      %dma_wait3A_99 = tpu.memref_slice %arg3[%dma_wait3A_98] : memref<6400000xi32, #tpu.memory_space<hbm>> -> memref<4000xi32, #tpu.memory_space<hbm>>
      tpu.wait_dma2 semaphore(%arg13 : memref<!tpu.dma_semaphore, #tpu.memory_space<semaphore_mem>>) src(%dma_wait3A_99 : memref<4000xi32, #tpu.memory_space<hbm>>) dst(%arg11 : memref<4000xi32, #tpu.memory_space<vmem>>)
      %parallel_loop3A_100 = arith.constant 0 : i32
      %parallel_loop3A_101 = arith.constant 250 : i32
      %parallel_loop3A_102 = arith.constant 1 : i32
      scf.for %parallel_loop3A_111 = %parallel_loop3A_100 to %parallel_loop3A_101 step %parallel_loop3A_102  : i32 {
        %parallel_loop3A_112 = arith.constant 16 : i32
        %parallel_loop3A_113 = arith.muli %parallel_loop3A_111, %parallel_loop3A_112 : i32
        %parallel_loop3A_114 = arith.index_cast %parallel_loop3A_113 : i32 to index
        %parallel_loop3A_115 = tpu.vector_load %arg9[%parallel_loop3A_114] {strides = array<i32>} : memref<4000xi32, #tpu.memory_space<vmem>>, vector<16xi32>,
        tpu.vector_store_idx %arg6[%parallel_loop3A_115], %broadcast_in_dim3A_56 {add = true} : memref<50000xf32, #tpu.memory_space<vmem>>[vector<16xi32>], vector<16xf32>,
        %parallel_loop3A_116 = arith.index_cast %parallel_loop3A_113 : i32 to index
        %parallel_loop3A_117 = tpu.vector_load %arg11[%parallel_loop3A_116] {strides = array<i32>} : memref<4000xi32, #tpu.memory_space<vmem>>, vector<16xi32>,
        tpu.vector_store_idx %arg7[%parallel_loop3A_117], %broadcast_in_dim3A_56 {add = true} : memref<50000xf32, #tpu.memory_space<vmem>>[vector<16xi32>], vector<16xf32>,
      } {sc.loop_unroll_factor = 8 : i64, sc.parallel_access}
      %add3A_103 = arith.constant 2 : i32
      %add3A_104 = arith.addi %add3A_91, %add3A_103 : i32
      %lt3A_105 = arith.constant 50 : i32
      %lt3A_106 = arith.cmpi slt, %add3A_104, %lt3A_105 : i32
      %convert_element_type3A_107 = arith.extui %lt3A_106 : i1 to i32
      %cond3A_108 = arith.constant 0 : i32
      %cond3A_109 = arith.cmpi ne, %convert_element_type3A_107, %cond3A_108 : i32
      scf.if %cond3A_109 {
        %add3A_111 = arith.constant 2 : i32
        %add3A_112 = arith.addi %add3A_91, %add3A_111 : i32
        %mul3A_113 = arith.constant 4000 : i32
        %mul3A_114 = arith.muli %add3A_112, %mul3A_113 : i32
        %add3A_115 = arith.addi %add3A_35, %mul3A_114 : i32
        %dma_start3A_116 = tpu.memref_slice %arg2[%add3A_115] : memref<6400000xi32, #tpu.memory_space<hbm>> -> memref<4000xi32, #tpu.memory_space<hbm>>
        %dma_start3A_117 = tpu.memref_slice %arg2[%add3A_115] : memref<6400000xi32, #tpu.memory_space<hbm>> -> memref<4000xi32, #tpu.memory_space<hbm>>
        tpu.enqueue_dma source(%dma_start3A_117 : memref<4000xi32, #tpu.memory_space<hbm>>) target(%arg9 : memref<4000xi32, #tpu.memory_space<vmem>>) target_semaphore(%arg13 : memref<!tpu.dma_semaphore, #tpu.memory_space<semaphore_mem>>)
        %dma_start3A_118 = tpu.memref_slice %arg3[%add3A_115] : memref<6400000xi32, #tpu.memory_space<hbm>> -> memref<4000xi32, #tpu.memory_space<hbm>>
        %dma_start3A_119 = tpu.memref_slice %arg3[%add3A_115] : memref<6400000xi32, #tpu.memory_space<hbm>> -> memref<4000xi32, #tpu.memory_space<hbm>>
        tpu.enqueue_dma source(%dma_start3A_119 : memref<4000xi32, #tpu.memory_space<hbm>>) target(%arg11 : memref<4000xi32, #tpu.memory_space<vmem>>) target_semaphore(%arg13 : memref<!tpu.dma_semaphore, #tpu.memory_space<semaphore_mem>>)
      } else {
      }
      %scan3A_110 = arith.constant 0 : i32
      scf.yield %scan3A_110 : i32
    }
    %scan3A_62 = arith.constant 25 : i32
    %mul3A_63 = arith.constant 50000 : i32
    %mul3A_64 = arith.muli %add3A, %mul3A_63 : i32
    "tpu.region"() ({
      %run_scoped3A = tpu.sem_alloc : memref<!tpu.dma_semaphore, #tpu.memory_space<semaphore_mem>>
      %dma_start3A_67 = tpu.memref_slice %arg4[%mul3A_64] : memref<1600000xf32, #tpu.memory_space<hbm>> -> memref<50000xf32, #tpu.memory_space<hbm>>
      %dma_start3A_68 = tpu.memref_slice %arg4[%mul3A_64] : memref<1600000xf32, #tpu.memory_space<hbm>> -> memref<50000xf32, #tpu.memory_space<hbm>>
      tpu.enqueue_dma source(%arg6 : memref<50000xf32, #tpu.memory_space<vmem>>) target(%dma_start3A_68 : memref<50000xf32, #tpu.memory_space<hbm>>) target_semaphore(%run_scoped3A : memref<!tpu.dma_semaphore, #tpu.memory_space<semaphore_mem>>)
      %dma_wait3A = tpu.memref_slice %arg4[%mul3A_64] : memref<1600000xf32, #tpu.memory_space<hbm>> -> memref<50000xf32, #tpu.memory_space<hbm>>
      %dma_wait3A_69 = tpu.memref_slice %arg4[%mul3A_64] : memref<1600000xf32, #tpu.memory_space<hbm>> -> memref<50000xf32, #tpu.memory_space<hbm>>
      tpu.wait_dma2 semaphore(%run_scoped3A : memref<!tpu.dma_semaphore, #tpu.memory_space<semaphore_mem>>) src(%arg6 : memref<50000xf32, #tpu.memory_space<vmem>>) dst(%dma_wait3A_69 : memref<50000xf32, #tpu.memory_space<hbm>>)
      tpu.yield
    }) : () -> ()
    %mul3A_65 = arith.constant 50000 : i32
    %mul3A_66 = arith.muli %add3A, %mul3A_65 : i32
    "tpu.region"() ({
      %run_scoped3A = tpu.sem_alloc : memref<!tpu.dma_semaphore, #tpu.memory_space<semaphore_mem>>
      %dma_start3A_67 = tpu.memref_slice %arg5[%mul3A_66] : memref<1600000xf32, #tpu.memory_space<hbm>> -> memref<50000xf32, #tpu.memory_space<hbm>>
      %dma_start3A_68 = tpu.memref_slice %arg5[%mul3A_66] : memref<1600000xf32, #tpu.memory_space<hbm>> -> memref<50000xf32, #tpu.memory_space<hbm>>
      tpu.enqueue_dma source(%arg7 : memref<50000xf32, #tpu.memory_space<vmem>>) target(%dma_start3A_68 : memref<50000xf32, #tpu.memory_space<hbm>>) target_semaphore(%run_scoped3A : memref<!tpu.dma_semaphore, #tpu.memory_space<semaphore_mem>>)
      %dma_wait3A = tpu.memref_slice %arg5[%mul3A_66] : memref<1600000xf32, #tpu.memory_space<hbm>> -> memref<50000xf32, #tpu.memory_space<hbm>>
      %dma_wait3A_69 = tpu.memref_slice %arg5[%mul3A_66] : memref<1600000xf32, #tpu.memory_space<hbm>> -> memref<50000xf32, #tpu.memory_space<hbm>>
      tpu.wait_dma2 semaphore(%run_scoped3A : memref<!tpu.dma_semaphore, #tpu.memory_space<semaphore_mem>>) src(%arg7 : memref<50000xf32, #tpu.memory_space<vmem>>) dst(%dma_wait3A_69 : memref<50000xf32, #tpu.memory_space<hbm>>)
      tpu.yield
    }) : () -> ()
    return
  }
}

module attributes {stable_mosaic.version = 14 : i64} {
  func.func @_tc_prep_body(%arg0: i32, %arg1: memref<8x50000xf32, #tpu.memory_space<vmem>>, %arg2: memref<8x50000xf32, #tpu.memory_space<vmem>>, %arg3: memref<1x8x50000xf32, #tpu.memory_space<vmem>>, %arg4: memref<1x8x50000xf32, #tpu.memory_space<vmem>>, %arg5: memref<1x1x50000xf32, #tpu.memory_space<vmem>>, %arg6: memref<1x1x50000xf32, #tpu.memory_space<vmem>>) attributes {dimension_semantics = [#tpu.dimension_semantics<arbitrary>], iteration_bounds = array<i64: 4>, scalar_prefetch = 0 : i64, scratch_operands = 0 : i64, tpu.core_type = #tpu.core_type<tc>, window_params = [{transform_indices = @transform_0, window_bounds = array<i64: 8, 50000>}, {transform_indices = @transform_1, window_bounds = array<i64: 8, 50000>}, {transform_indices = @transform_2, window_bounds = array<i64: 1, 8, 50000>}, {transform_indices = @transform_3, window_bounds = array<i64: 1, 8, 50000>}, {transform_indices = @transform_4, window_bounds = array<i64: 1, 1, 50000>}, {transform_indices = @transform_5, window_bounds = array<i64: 1, 1, 50000>}]} {
    %get3A = arith.constant 0 : index
    %get3A_0 = arith.constant 0 : index
    %get3A_1 = vector.load %arg1[%get3A, %get3A_0] : memref<8x50000xf32, #tpu.memory_space<vmem>>, vector<8x50000xf32>
    %reduce_sum3A = arith.constant dense<0.000000e+00> : vector<50000xf32>
    %reduce_sum3A_2 = vector.multi_reduction <add>, %get3A_1, %reduce_sum3A [0] : vector<8x50000xf32> to vector<50000xf32>
    %get3A_3 = arith.constant 0 : index
    %get3A_4 = arith.constant 0 : index
    %get3A_5 = vector.load %arg2[%get3A_3, %get3A_4] : memref<8x50000xf32, #tpu.memory_space<vmem>>, vector<8x50000xf32>
    %reduce_sum3A_6 = arith.constant dense<0.000000e+00> : vector<50000xf32>
    %reduce_sum3A_7 = vector.multi_reduction <add>, %get3A_5, %reduce_sum3A_6 [0] : vector<8x50000xf32> to vector<50000xf32>
    %max3A = arith.constant 1.000000e+00 : f32
    %max3A_8 = vector.broadcast %max3A : f32 to vector<50000xf32>
    %max3A_9 = arith.maximumf %reduce_sum3A_2, %max3A_8 : vector<50000xf32>
    %rsqrt3A = math.rsqrt %max3A_9 : vector<50000xf32>
    %max3A_10 = arith.constant 1.000000e+00 : f32
    %max3A_11 = vector.broadcast %max3A_10 : f32 to vector<50000xf32>
    %max3A_12 = arith.maximumf %reduce_sum3A_7, %max3A_11 : vector<50000xf32>
    %rsqrt3A_13 = math.rsqrt %max3A_12 : vector<50000xf32>
    %get3A_14 = arith.constant 0 : index
    %get3A_15 = arith.constant 0 : index
    %get3A_16 = arith.constant 0 : index
    %get3A_17 = vector.load %arg3[%get3A_14, %get3A_15, %get3A_16] : memref<1x8x50000xf32, #tpu.memory_space<vmem>>, vector<1x8x50000xf32>
    %broadcast_in_dim3A = vector.shape_cast %rsqrt3A : vector<50000xf32> to vector<1x1x50000xf32>
    %mul3A = vector.broadcast %broadcast_in_dim3A : vector<1x1x50000xf32> to vector<1x8x50000xf32>
    %mul3A_18 = arith.mulf %get3A_17, %mul3A : vector<1x8x50000xf32>
    %swap3A = arith.constant 0 : index
    %swap3A_19 = arith.constant 0 : index
    %swap3A_20 = arith.constant 0 : index
    %swap3A_21 = vector.load %arg4[%swap3A, %swap3A_19, %swap3A_20] : memref<1x8x50000xf32, #tpu.memory_space<vmem>>, vector<1x8x50000xf32>
    tpu.vector_store %arg4[%swap3A, %swap3A_19, %swap3A_20], %mul3A_18 {strides = array<i32>} : memref<1x8x50000xf32, #tpu.memory_space<vmem>>, vector<1x8x50000xf32>,
    %broadcast_in_dim3A_22 = vector.shape_cast %rsqrt3A : vector<50000xf32> to vector<1x1x50000xf32>
    %swap3A_23 = arith.constant 0 : index
    %swap3A_24 = arith.constant 0 : index
    %swap3A_25 = arith.constant 0 : index
    %swap3A_26 = vector.load %arg5[%swap3A_23, %swap3A_24, %swap3A_25] : memref<1x1x50000xf32, #tpu.memory_space<vmem>>, vector<1x1x50000xf32>
    tpu.vector_store %arg5[%swap3A_23, %swap3A_24, %swap3A_25], %broadcast_in_dim3A_22 {strides = array<i32>} : memref<1x1x50000xf32, #tpu.memory_space<vmem>>, vector<1x1x50000xf32>,
    %broadcast_in_dim3A_27 = vector.shape_cast %rsqrt3A_13 : vector<50000xf32> to vector<1x1x50000xf32>
    %swap3A_28 = arith.constant 0 : index
    %swap3A_29 = arith.constant 0 : index
    %swap3A_30 = arith.constant 0 : index
    %swap3A_31 = vector.load %arg6[%swap3A_28, %swap3A_29, %swap3A_30] : memref<1x1x50000xf32, #tpu.memory_space<vmem>>, vector<1x1x50000xf32>
    tpu.vector_store %arg6[%swap3A_28, %swap3A_29, %swap3A_30], %broadcast_in_dim3A_27 {strides = array<i32>} : memref<1x1x50000xf32, #tpu.memory_space<vmem>>, vector<1x1x50000xf32>,
    return
  }
  func.func @transform_0(%arg0: i32) -> (i32, i32) {
    %c0_i32 = arith.constant 0 : i32
    %c0_i32_0 = arith.constant 0 : i32
    return %arg0, %c0_i32 : i32, i32
  }
  func.func @transform_1(%arg0: i32) -> (i32, i32) {
    %c0_i32 = arith.constant 0 : i32
    %c0_i32_0 = arith.constant 0 : i32
    return %arg0, %c0_i32 : i32, i32
  }
  func.func @transform_2(%arg0: i32) -> (i32, i32, i32) {
    %c0_i32 = arith.constant 0 : i32
    %c0_i32_0 = arith.constant 0 : i32
    %c0_i32_1 = arith.constant 0 : i32
    return %arg0, %c0_i32, %c0_i32_0 : i32, i32, i32
  }
  func.func @transform_3(%arg0: i32) -> (i32, i32, i32) {
    %c0_i32 = arith.constant 0 : i32
    %c0_i32_0 = arith.constant 0 : i32
    %c0_i32_1 = arith.constant 0 : i32
    return %arg0, %c0_i32, %c0_i32_0 : i32, i32, i32
  }
  func.func @transform_4(%arg0: i32) -> (i32, i32, i32) {
    %c0_i32 = arith.constant 0 : i32
    %c0_i32_0 = arith.constant 0 : i32
    %c0_i32_1 = arith.constant 0 : i32
    return %arg0, %c0_i32, %c0_i32_0 : i32, i32, i32
  }
  func.func @transform_5(%arg0: i32) -> (i32, i32, i32) {
    %c0_i32 = arith.constant 0 : i32
    %c0_i32_0 = arith.constant 0 : i32
    %c0_i32_1 = arith.constant 0 : i32
    return %arg0, %c0_i32, %c0_i32_0 : i32, i32, i32
  }
}

module attributes {stable_mosaic.version = 14 : i64} {
  func.func @_tc_mid_body(%arg0: i32, %arg1: memref<1x8x50000xf32, #tpu.memory_space<vmem>>, %arg2: memref<1x1x50000xf32, #tpu.memory_space<vmem>>, %arg3: memref<1x1x50000xf32, #tpu.memory_space<vmem>>, %arg4: memref<16x8xf32, #tpu.memory_space<vmem>>, %arg5: memref<16x1xf32, #tpu.memory_space<vmem>>, %arg6: memref<8x16xf32, #tpu.memory_space<vmem>>, %arg7: memref<1x8x50000xf32, #tpu.memory_space<vmem>>) attributes {dimension_semantics = [#tpu.dimension_semantics<arbitrary>], iteration_bounds = array<i64: 4>, scalar_prefetch = 0 : i64, scratch_operands = 0 : i64, tpu.core_type = #tpu.core_type<tc>, window_params = [{transform_indices = @transform_0, window_bounds = array<i64: 1, 8, 50000>}, {transform_indices = @transform_1, window_bounds = array<i64: 1, 1, 50000>}, {transform_indices = @transform_2, window_bounds = array<i64: 1, 1, 50000>}, {pipeline_mode = #tpu.pipeline_mode<synchronous>, transform_indices = @transform_3, window_bounds = array<i64: 16, 8>}, {pipeline_mode = #tpu.pipeline_mode<synchronous>, transform_indices = @transform_4, window_bounds = array<i64: 16, 1>}, {pipeline_mode = #tpu.pipeline_mode<synchronous>, transform_indices = @transform_5, window_bounds = array<i64: 8, 16>}, {transform_indices = @transform_6, window_bounds = array<i64: 1, 8, 50000>}]} {
    %get3A = arith.constant 0 : index
    %get3A_0 = arith.constant 0 : index
    %get3A_1 = arith.constant 0 : index
    %get3A_2 = vector.load %arg1[%get3A, %get3A_0, %get3A_1] : memref<1x8x50000xf32, #tpu.memory_space<vmem>>, vector<1x8x50000xf32>
    %squeeze3A = vector.shape_cast %get3A_2 : vector<1x8x50000xf32> to vector<8x50000xf32>
    %get3A_3 = arith.constant 0 : index
    %get3A_4 = arith.constant 0 : index
    %get3A_5 = arith.constant 0 : index
    %get3A_6 = vector.load %arg2[%get3A_3, %get3A_4, %get3A_5] : memref<1x1x50000xf32, #tpu.memory_space<vmem>>, vector<1x1x50000xf32>
    %squeeze3A_7 = vector.shape_cast %get3A_6 : vector<1x1x50000xf32> to vector<1x50000xf32>
    %mul3A = vector.broadcast %squeeze3A_7 : vector<1x50000xf32> to vector<8x50000xf32>
    %mul3A_8 = arith.mulf %squeeze3A, %mul3A : vector<8x50000xf32>
    %get3A_9 = arith.constant 0 : index
    %get3A_10 = arith.constant 0 : index
    %get3A_11 = vector.load %arg4[%get3A_9, %get3A_10] : memref<16x8xf32, #tpu.memory_space<vmem>>, vector<16x8xf32>
    %dot_general3A = arith.constant dense<0.000000e+00> : vector<16x50000xf32>
    %dot_general3A_12 = tpu.matmul %get3A_11, %mul3A_8, %dot_general3A {dimension_numbers = #tpu.dot_dimension_numbers<[1], [0], [0], [1], [0, 0, 1, 1], [], []>, precision = #tpu.contract_precision<fp32>, transpose_lhs_hint = false} : vector<16x8xf32>, vector<8x50000xf32>, vector<16x50000xf32> -> vector<16x50000xf32>
    %get3A_13 = arith.constant 0 : index
    %get3A_14 = arith.constant 0 : index
    %get3A_15 = vector.load %arg5[%get3A_13, %get3A_14] : memref<16x1xf32, #tpu.memory_space<vmem>>, vector<16x1xf32>
    %add3A = vector.broadcast %get3A_15 : vector<16x1xf32> to vector<16x50000xf32>
    %add3A_16 = arith.addf %dot_general3A_12, %add3A : vector<16x50000xf32>
    %ge3A = arith.constant 0.000000e+00 : f32
    %ge3A_17 = vector.broadcast %ge3A : f32 to vector<16x50000xf32>
    %ge3A_18 = arith.cmpf oge, %add3A_16, %ge3A_17 : vector<16x50000xf32>
    %mul3A_19 = arith.constant 0.00999999977 : f32
    %mul3A_20 = vector.broadcast %mul3A_19 : f32 to vector<16x50000xf32>
    %mul3A_21 = arith.mulf %mul3A_20, %add3A_16 : vector<16x50000xf32>
    %select_n3A = arith.select %ge3A_18, %add3A_16, %mul3A_21 : vector<16x50000xi1>, vector<16x50000xf32>
    %get3A_22 = arith.constant 0 : index
    %get3A_23 = arith.constant 0 : index
    %get3A_24 = vector.load %arg6[%get3A_22, %get3A_23] : memref<8x16xf32, #tpu.memory_space<vmem>>, vector<8x16xf32>
    %get3A_25 = arith.constant 0 : index
    %get3A_26 = arith.constant 0 : index
    %get3A_27 = arith.constant 0 : index
    %get3A_28 = vector.load %arg3[%get3A_25, %get3A_26, %get3A_27] : memref<1x1x50000xf32, #tpu.memory_space<vmem>>, vector<1x1x50000xf32>
    %squeeze3A_29 = vector.shape_cast %get3A_28 : vector<1x1x50000xf32> to vector<1x50000xf32>
    %mul3A_30 = vector.broadcast %squeeze3A_29 : vector<1x50000xf32> to vector<16x50000xf32>
    %mul3A_31 = arith.mulf %select_n3A, %mul3A_30 : vector<16x50000xf32>
    %dot_general3A_32 = arith.constant dense<0.000000e+00> : vector<8x50000xf32>
    %dot_general3A_33 = tpu.matmul %get3A_24, %mul3A_31, %dot_general3A_32 {dimension_numbers = #tpu.dot_dimension_numbers<[1], [0], [0], [1], [0, 0, 1, 1], [], []>, precision = #tpu.contract_precision<fp32>, transpose_lhs_hint = false} : vector<8x16xf32>, vector<16x50000xf32>, vector<8x50000xf32> -> vector<8x50000xf32>
    %broadcast_in_dim3A = vector.shape_cast %dot_general3A_33 : vector<8x50000xf32> to vector<1x8x50000xf32>
    %swap3A = arith.constant 0 : index
    %swap3A_34 = arith.constant 0 : index
    %swap3A_35 = arith.constant 0 : index
    %swap3A_36 = vector.load %arg7[%swap3A, %swap3A_34, %swap3A_35] : memref<1x8x50000xf32, #tpu.memory_space<vmem>>, vector<1x8x50000xf32>
    tpu.vector_store %arg7[%swap3A, %swap3A_34, %swap3A_35], %broadcast_in_dim3A {strides = array<i32>} : memref<1x8x50000xf32, #tpu.memory_space<vmem>>, vector<1x8x50000xf32>,
    return
  }
  func.func @transform_0(%arg0: i32) -> (i32, i32, i32) {
    %c0_i32 = arith.constant 0 : i32
    %c0_i32_0 = arith.constant 0 : i32
    %c0_i32_1 = arith.constant 0 : i32
    return %arg0, %c0_i32, %c0_i32_0 : i32, i32, i32
  }
  func.func @transform_1(%arg0: i32) -> (i32, i32, i32) {
    %c0_i32 = arith.constant 0 : i32
    %c0_i32_0 = arith.constant 0 : i32
    %c0_i32_1 = arith.constant 0 : i32
    return %arg0, %c0_i32, %c0_i32_0 : i32, i32, i32
  }
  func.func @transform_2(%arg0: i32) -> (i32, i32, i32) {
    %c0_i32 = arith.constant 0 : i32
    %c0_i32_0 = arith.constant 0 : i32
    %c0_i32_1 = arith.constant 0 : i32
    return %arg0, %c0_i32, %c0_i32_0 : i32, i32, i32
  }
  func.func @transform_3(%arg0: i32) -> (i32, i32) {
    %c0_i32 = arith.constant 0 : i32
    %c0_i32_0 = arith.constant 0 : i32
    %c0_i32_1 = arith.constant 0 : i32
    return %c0_i32, %c0_i32_0 : i32, i32
  }
  func.func @transform_4(%arg0: i32) -> (i32, i32) {
    %c0_i32 = arith.constant 0 : i32
    %c0_i32_0 = arith.constant 0 : i32
    %c0_i32_1 = arith.constant 0 : i32
    return %c0_i32, %c0_i32_0 : i32, i32
  }
  func.func @transform_5(%arg0: i32) -> (i32, i32) {
    %c0_i32 = arith.constant 0 : i32
    %c0_i32_0 = arith.constant 0 : i32
    %c0_i32_1 = arith.constant 0 : i32
    return %c0_i32, %c0_i32_0 : i32, i32
  }
  func.func @transform_6(%arg0: i32) -> (i32, i32, i32) {
    %c0_i32 = arith.constant 0 : i32
    %c0_i32_0 = arith.constant 0 : i32
    %c0_i32_1 = arith.constant 0 : i32
    return %arg0, %c0_i32, %c0_i32_0 : i32, i32, i32
  }
}

module attributes {stable_mosaic.version = 14 : i64} {
  func.func @_tc_final_body(%arg0: i32, %arg1: memref<1x8x50000xf32, #tpu.memory_space<vmem>>, %arg2: memref<1x1x50000xf32, #tpu.memory_space<vmem>>, %arg3: memref<8x1xf32, #tpu.memory_space<vmem>>, %arg4: memref<1x8x30000xf32, #tpu.memory_space<vmem>>) attributes {dimension_semantics = [#tpu.dimension_semantics<arbitrary>], iteration_bounds = array<i64: 4>, scalar_prefetch = 0 : i64, scratch_operands = 0 : i64, tpu.core_type = #tpu.core_type<tc>, window_params = [{transform_indices = @transform_0, window_bounds = array<i64: 1, 8, 50000>}, {transform_indices = @transform_1, window_bounds = array<i64: 1, 1, 50000>}, {pipeline_mode = #tpu.pipeline_mode<synchronous>, transform_indices = @transform_2, window_bounds = array<i64: 8, 1>}, {transform_indices = @transform_3, window_bounds = array<i64: 1, 8, 30000>}]} {
    %get3A = arith.constant 0 : index
    %get3A_0 = arith.constant 0 : index
    %get3A_1 = arith.constant 0 : index
    %get3A_2 = vector.load %arg1[%get3A, %get3A_0, %get3A_1] : memref<1x8x50000xf32, #tpu.memory_space<vmem>>, vector<1x8x50000xf32>
    %squeeze3A = vector.shape_cast %get3A_2 : vector<1x8x50000xf32> to vector<8x50000xf32>
    %get3A_3 = arith.constant 0 : index
    %get3A_4 = arith.constant 0 : index
    %get3A_5 = arith.constant 0 : index
    %get3A_6 = vector.load %arg2[%get3A_3, %get3A_4, %get3A_5] : memref<1x1x50000xf32, #tpu.memory_space<vmem>>, vector<1x1x50000xf32>
    %squeeze3A_7 = vector.shape_cast %get3A_6 : vector<1x1x50000xf32> to vector<1x50000xf32>
    %mul3A = vector.broadcast %squeeze3A_7 : vector<1x50000xf32> to vector<8x50000xf32>
    %mul3A_8 = arith.mulf %squeeze3A, %mul3A : vector<8x50000xf32>
    %get3A_9 = arith.constant 0 : index
    %get3A_10 = arith.constant 0 : index
    %get3A_11 = vector.load %arg3[%get3A_9, %get3A_10] : memref<8x1xf32, #tpu.memory_space<vmem>>, vector<8x1xf32>
    %add3A = vector.broadcast %get3A_11 : vector<8x1xf32> to vector<8x50000xf32>
    %add3A_12 = arith.addf %mul3A_8, %add3A : vector<8x50000xf32>
    %slice3A = vector.extract_strided_slice %add3A_12 {offsets = [0, 0], sizes = [8, 30000], strides = [1, 1]} : vector<8x50000xf32> to vector<8x30000xf32>
    %broadcast_in_dim3A = vector.shape_cast %slice3A : vector<8x30000xf32> to vector<1x8x30000xf32>
    %swap3A = arith.constant 0 : index
    %swap3A_13 = arith.constant 0 : index
    %swap3A_14 = arith.constant 0 : index
    %swap3A_15 = vector.load %arg4[%swap3A, %swap3A_13, %swap3A_14] : memref<1x8x30000xf32, #tpu.memory_space<vmem>>, vector<1x8x30000xf32>
    tpu.vector_store %arg4[%swap3A, %swap3A_13, %swap3A_14], %broadcast_in_dim3A {strides = array<i32>} : memref<1x8x30000xf32, #tpu.memory_space<vmem>>, vector<1x8x30000xf32>,
    return
  }
  func.func @transform_0(%arg0: i32) -> (i32, i32, i32) {
    %c0_i32 = arith.constant 0 : i32
    %c0_i32_0 = arith.constant 0 : i32
    %c0_i32_1 = arith.constant 0 : i32
    return %arg0, %c0_i32, %c0_i32_0 : i32, i32, i32
  }
  func.func @transform_1(%arg0: i32) -> (i32, i32, i32) {
    %c0_i32 = arith.constant 0 : i32
    %c0_i32_0 = arith.constant 0 : i32
    %c0_i32_1 = arith.constant 0 : i32
    return %arg0, %c0_i32, %c0_i32_0 : i32, i32, i32
  }
  func.func @transform_2(%arg0: i32) -> (i32, i32) {
    %c0_i32 = arith.constant 0 : i32
    %c0_i32_0 = arith.constant 0 : i32
    %c0_i32_1 = arith.constant 0 : i32
    return %c0_i32, %c0_i32_0 : i32, i32
  }
  func.func @transform_3(%arg0: i32) -> (i32, i32, i32) {
    %c0_i32 = arith.constant 0 : i32
    %c0_i32_0 = arith.constant 0 : i32
    %c0_i32_1 = arith.constant 0 : i32
    return %arg0, %c0_i32, %c0_i32_0 : i32, i32, i32
  }
}

</mosaic_0001>

<sc_bundles>
// kernel: kernel.11.cloned.1.call-start
scs
__scs_entry_jumppad:
0x0: {  	(pc) =	sbr.rel $0x88, $3  }
0x1: {  	(tag) =	ssettag $0x0;
	lr =	simm.s32 $0x1  }
0x2: {  	[smem:$0x3F99] =	sst lr;
	_ =	strace $0xD0000000  }
0x3: {  	_ = 	snop  }
0x4: {  	_ = 	snop  }
0x5: {  	_ = 	snop  }
0x6: {  	_ = 	snop  }
0x7: {  	_ = 	snop  }
__scs_overlays_trampoline_lowered:
0x8: {  	[smem:$0x3FA8] =	sst s0  }
0x9: {  	[smem:$0x3FA9] =	sst s1  }
0xa: {  	[smem:$0x3FAA] =	sst s2  }
0xb: {  	[smem:$0x3FAB] =	sst s3  }
0xc: {  	[smem:$0x3FAC] =	sst s4  }
0xd: {  	[smem:$0x3FAD] =	sst s5  }
0xe: {  	[smem:$0x3FAE] =	sst s6  }
0xf: {  	[smem:$0x3FAF] =	sst s7  }
0x10: {  	[smem:$0x3FB0] =	sst s8  }
0x11: {  	[smem:$0x3FB1] =	sst s9;
	s0 =	simm.s32 @!p0 $0x0  }
0x12: {  	s1 =	sld [smem:$0x3F97];
	s0 =	simm.s32 @p0 $0x1  }
0x13: {  	[smem:$0x3FB2] =	sst s0;
	s0 =	simm.s32 @!p1 $0x0  }
0x14: {  	s2 =	sld [smem:$0x3F96];
	s0 =	simm.s32 @p1 $0x1  }
0x15: {  	[smem:$0x3FB3] =	sst s0;
	s0 =	simm.s32 @!p2 $0x0  }
0x16: {  	s3 =	sld [smem:$0x3FDB];
	s0 =	simm.s32 @p2 $0x1  }
0x17: {  	s4 =	simm.s32 $0x1BF5;
	[smem:$0x3FB5] =	sst s0  }
0x18: {  	s0 =	sld [smem:$0x3F98];
	_ =	swait.ge [sflag:s4], $0x0  }
0x19: {  	s7 =	sld [smem:$0x3F99]  }
0x1a: {  	s8 =	sadd.s32 $0xFFFFE003, lr  }
0x1b: {  	s9 =	sadd.s32 $0xFFFFFEF7, lr;
	s5 =	simm.s32 $0xFFFFFFFF;
	p2 =	slt.u32 s8, $0xFFFFF086  }
0x1c: {  	p1 =	slt.u32 s9, $0xF7A;
	s5 =	simm.s32 @!p2 $0x0  }
0x1d: {  	s5 =	simm.s32 @p1 $0x1;
	p0 =	seq.s32 s7, s2  }
0x1e: {  	s7 =	smul.u32 @!p0 $0xF7A, s2;
	p2 =	seq.s32 @!p0 s5, $0x0  }
0x1f: {  	s9 =	smul.u32 $0xF7A, s1;
	s8 =	simm.s32 @!p0 $0x1BF5;
	p2 =	por !p2, p0  }
0x20: {  	[sflag:s8] =	ssyncset.s32 @!p0 $0xFFFFF086;
	s6 =	sadd.s32 @!p0 s3, s7;
	s7 =	simm.s32 @!p0 $0x108  }
0x21: {  	s3 =	sadd.s32 s3, s9;
	s6 =	sadd.s32 @!p0 $0x88, s6;
	s7 =	simm.s32 @p2 $0x1082  }
0x22: {  	[simem:s7], [sflag:s8] =	dma.local @!p0 [hbm:s6], $0xF7A  }
0x23: {  	s9 =	sor.u32 $0xD0000000, s2;
	s6 =	simm.s32 $0x108;
	_ =	swait.ge @!p0 [sflag:s8], $0x0  }
0x24: {  	s3 =	sadd.s32 $0x88, s3;
	s6 =	simm.s32 @!p1 $0x1082;
	[sflag:s4] =	ssyncset.s32 $0xFFFFF086  }
0x25: {  	[simem:s6], [sflag:s4] =	dma.local [hbm:s3], $0xF7A  }
0x26: {  	[smem:$0x3F99] =	sst s1;
	(tag) =	ssettag s2;
	_ =	strace s9  }
0x27: {  	s1 =	sld [smem:$0x3FA9]  }
0x28: {  	s2 =	sld [smem:$0x3FAA]  }
0x29: {  	s4 =	sld [smem:$0x3FAC]  }
0x2a: {  	p0 =	seq.s32 s5, $0x0;
	s5 =	sld [smem:$0x3FAD]  }
0x2b: {  	s6 =	sld [smem:$0x3FAE]  }
0x2c: {  	s7 =	sld [smem:$0x3FAF]  }
0x2d: {  	s3 =	simm.s32 $0x108;
	s8 =	sld [smem:$0x3FB0]  }
0x2e: {  	s3 =	simm.s32 @!p0 $0x1082;
	s9 =	sld [smem:$0x3FB1]  }
0x2f: {  	lr =	sadd.s32 s0, s3;
	s0 =	sld [smem:$0x3FA8]  }
0x30: {  	s3 =	sld [smem:$0x3FAB]  }
0x31: {  	[smem:$0x3FB4] =	sst s10  }
0x32: {  	s10 =	sld [smem:$0x3FB2];
	_ =	sdelay $0x3  }
0x33: {  	p0 =	seq.s32 s10, $0x1;
	s10 =	sld [smem:$0x3FB4];
	_ =	sdelay $0x3  }
0x34: {  	[smem:$0x3FB4] =	sst s10  }
0x35: {  	s10 =	sld [smem:$0x3FB3];
	_ =	sdelay $0x3  }
0x36: {  	p1 =	seq.s32 s10, $0x1;
	s10 =	sld [smem:$0x3FB4];
	_ =	sdelay $0x3  }
0x37: {  	[smem:$0x3FB4] =	sst s10  }
0x38: {  	s10 =	sld [smem:$0x3FB5]  }
0x39: {  	_ = 	snop;
	(pc) =	sbr.ind lr, $3  }
0x3a: {  	_ = 	snop  }
0x3b: {  	_ = 	snop  }
0x3c: {  	p2 =	seq.s32 s10, $0x1;
	s10 =	sld [smem:$0x3FB4]  }
0x3d: {  	_ =	shalt  }
0x3e: {  	_ =	shalt  }
0x3f: {  	_ =	shalt  }
0x40: {  	_ =	shalt  }
0x41: {  	_ =	shalt  }
0x42: {  	_ =	shalt  }
0x43: {  	_ =	shalt  }
0x44: {  	_ =	shalt  }
0x45: {  	_ =	shalt  }
0x46: {  	_ =	shalt  }
0x47: {  	_ =	shalt  }
0x48: {  	_ =	shalt  }
0x49: {  	_ =	shalt  }
0x4a: {  	_ =	shalt  }
0x4b: {  	_ =	shalt  }
0x4c: {  	_ =	shalt  }
0x4d: {  	_ =	shalt  }
0x4e: {  	_ =	shalt  }
0x4f: {  	_ =	shalt  }
0x50: {  	_ =	shalt  }
0x51: {  	_ =	shalt  }
0x52: {  	_ =	shalt  }
0x53: {  	_ =	shalt  }
0x54: {  	_ =	shalt  }
0x55: {  	_ =	shalt  }
0x56: {  	_ =	shalt  }
0x57: {  	_ =	shalt  }
0x58: {  	_ =	shalt  }
0x59: {  	_ =	shalt  }
0x5a: {  	_ =	shalt  }
0x5b: {  	_ =	shalt  }
0x5c: {  	_ =	shalt  }
0x5d: {  	_ =	shalt  }
0x5e: {  	_ =	shalt  }
0x5f: {  	_ =	shalt  }
0x60: {  	_ =	shalt  }
0x61: {  	_ =	shalt  }
0x62: {  	_ =	shalt  }
0x63: {  	_ =	shalt  }
0x64: {  	_ =	shalt  }
0x65: {  	_ =	shalt  }
0x66: {  	_ =	shalt  }
0x67: {  	_ =	shalt  }
0x68: {  	_ =	shalt  }
0x69: {  	_ =	shalt  }
0x6a: {  	_ =	shalt  }
0x6b: {  	_ =	shalt  }
0x6c: {  	_ =	shalt  }
0x6d: {  	_ =	shalt  }
0x6e: {  	_ =	shalt  }
0x6f: {  	_ =	shalt  }
0x70: {  	_ =	shalt  }
0x71: {  	_ =	shalt  }
0x72: {  	_ =	shalt  }
0x73: {  	_ =	shalt  }
0x74: {  	_ =	shalt  }
0x75: {  	_ =	shalt  }
0x76: {  	_ =	shalt  }
0x77: {  	_ =	shalt  }
0x78: {  	_ =	shalt  }
0x79: {  	_ =	shalt  }
0x7a: {  	_ =	shalt  }
0x7b: {  	_ =	shalt  }
0x7c: {  	_ =	shalt  }
0x7d: {  	_ =	shalt  }
0x7e: {  	_ =	shalt  }
0x7f: {  	_ =	shalt  }
0x80: {  	_ =	shalt  }
0x81: {  	_ =	shalt  }
0x82: {  	_ =	shalt  }
0x83: {  	_ =	shalt  }
0x84: {  	_ =	shalt  }
0x85: {  	_ =	shalt  }
0x86: {  	_ =	shalt  }
0x87: {  	_ =	shalt  }
.Lfunc_end0:
.L_simem_size_0:
called_computation.1_lowered:
.L_overlay_start_0:
0x88: {  	s2 =	sld [smem:$0x3FD9]  }
0x89: {  	s3 =	sld [smem:$0x3FFE];
	_ =	sdelay $0x1  }
0x8a: {  	s1 =	srdreg.scid  }
0x8b: {  	s0 =	sand.u32 $0x1, s1  }
0x8c: {  	s16 =	sshll.u32 s0, $0xA;
	s2 =	sadd.s32 s3, s2  }
0x8d: {  	s2 =	sadd.s32 s2, s16  }
0x8e: {  	[smem:$0x3FC0] =	sst s2  }
0x8f: {  	_ = 	snop  }
0x90: {  	(tm) =	ssettm $0x1  }
0x91: {  	s17 =	sld [smem:$0x3FFB];
	_ =	sdelay $0x3  }
0x92: {  	_ =	strace s17  }
0x93: {  	s2 =	sld [smem:$0x3FFC];
	_ =	sdelay $0x3  }
0x94: {  	_ =	strace s2  }
0x95: {  	s2 =	sld [smem:$0x3FFD];
	_ =	sdelay $0x3  }
0x96: {  	_ =	strace s2  }
0x97: {  	_ =	strace $0x8FFFFFFF  }
0x98: {  	s18 =	sld [smem:$0x3FDB];
	_ =	sdelay $0x1  }
0x99: {  	s19 =	simm.s32 $_scs_section_size  }
0x9a: {  	s4 =	simm.s32 $_size__tile_overlayer_lowered;
	s5 =	simm.s32 $_tile_overlayer_lowered  }
0x9b: {  	s22 =	simm.s32 $0x1BFF;
	s21 =	sshll.u32 s5, $0x1;
	s2 =	sadd.s32 s19, s18  }
0x9c: {  	s6 =	simm.s32 $0x0;
	s20 =	sshll.u32 s4, $0x1;
	s4 =	sadd.s32 s21, s2  }
0x9d: {  	[timem:s6], [sflag:s22] =	dma.local [hbm:s4], s20  }
0x9e: {  	_ =	swait.ge [sflag:s22], s20  }
0x9f: {  	s3 =	ssub.s32 $0x0, s20;
	[sflag:s22] =	ssyncset.done $0x0  }
0xa0: {  	[sflag:s22] =	ssyncadd.s32 s3;
	_ =	sdelay $0x1  }
0xa1: {  	s23 =	simm.s32 $0x1B8B  }
0xa2: {  	_ =	swait.ge [sflag:s23], $0x1  }
0xa3: {  	[sflag:s23] =	ssyncset.done $0x0  }
0xa4: {  	s25 =	simm.s32 $0x1B8E;
	s24 =	sld [smem:$0x3FFE];
	[sflag:s23] =	ssyncadd.s32 $0xFFFFFFFF  }
0xa5: {  	s26 =	simm.s32 $execute0_lowered;
	[smem:$0x3FD2] =	sst s25  }
0xa6: {  	s4 =	sshll.u32 s26, $0x1;
	_ =	strace $0x80000049;
	[dreg:$0x1] =	wrdreg $0xFFFFFFFF  }
0xa7: {  	s28 =	simm.s32 $_size_execute0_lowered;
	s2 =	sadd.s32 s2, s4;
	[dreg:$0x0] =	wrdreg $0x0  }
0xa8: {  	s4 =	sshll.u32 s28, $0x1;
	[dreg:$0x2] =	wrdreg s2  }
0xa9: {  	[dreg:$0x3] =	wrdreg s4  }
0xaa: {  	[dreg:$0x4] =	wrdreg $0xC0  }
0xab: {  	_ =	task [dreg:s6], $0x5FFFF  }
0xac: {  	[dreg:$0x1] =	wrdreg $0xFFFFFFFF  }
0xad: {  	[dreg:$0x0] =	wrdreg $0x60  }
0xae: {  	[dreg:$0x2] =	wrdreg s24  }
0xaf: {  	[dreg:$0x3] =	wrdreg $0x9  }
0xb0: {  	_ =	task.clear_ibuf [dreg:s6], $0x4FFFF;
	_ =	strace $0x90000049  }
0xb1: {  	s29 =	simm.s32 $0x9;
	_ =	strace $0x8000004B  }
0xb2: {  	_ =	swait.ge [sflag:s29], $0x1  }
0xb3: {  	[sflag:s29] =	ssyncadd.s32 $0xFFFFFFFF  }
0xb4: {  	_ =	strace $0x9000004B  }
0xb5: {  	_ =	sfence  }
0xb6: {  	s30 =	sld [smem:$0x0];
	_ =	sdelay $0x2  }
0xb7: {  	s31 =	sshll.u32 s1, $0xD;
	s1 =	sshrl.u32 s1, $0x2  }
0xb8: {  	s3 =	sand.u32 $0x4000, s31;
	s1 =	sadd.s32 s1, s30  }
0xb9: {  	s0 =	sor.u32 s3, s0;
	s1 =	sshll.u32 s1, $0x11  }
0xba: {  	s0 =	sor.u32 s1, s0  }
0xbb: {  	s0 =	sadd.s32 $0x8F2B, s0  }
0xbc: {  	[sflag:s0] =	ssyncadd.remote.s32 $0x1  }
0xbd: {  	_ =	sfence.sel $0xFFFF  }
0xbe: {  	[dreg:$0x0] =	wrdreg $0xFFFFFFFF;
	(pc) =	sbr.abs _section_cstart, $3  }
0xbf: {  	[dreg:$0x1] =	wrdreg $0xFFFFFFFF  }
0xc0: {  	_ =	task.clear_ibuf [dreg:s6], $0x2FFFF;
	_ =	strace $0x9FFFFFFF  }
0xc1: {  	(tm) =	ssettm $0x7FFFFFFF  }
tec
execute0_lowered:
.L_overlay_start_1:
0x0: {  	(tag) =	ssettag $0x1  }
0x1: {  	s0 =	rddreg [dreg:$0x0]  }
0x2: {  	s1 =	srdreg.scid;
	s4 =	stileid.u32  }
0x3: {  	s2 =	simm.s32 $0x0;
	s18 =	simm.s32 $0x1A700;
	s19 =	simm.s32 $0x1C700  }
0x4: {  	s20 =	simm.s32 $0x19700;
	s21 =	simm.s32 $0x1B700;
	s22 =	simm.s32 $0x1D700  }
0x5: {  	s23 =	simm.s32 $0x3;
	s24 =	simm.s32 $0x1;
	s25 =	simm.s32 $0xC380  }
0x6: {  	s26 =	simm.s32 $0x2;
	s28 =	simm.s32 $0x0;
	s1 =	sand.u32 $0x1, s1  }
0x7: {  	s3 =	sshll.u32 s4, $0x1;
	[smem:$0x7FF] =	sst s2;
	s4 =	sshrl.u32 s4, $0x2  }
0x8: {  	s5 =	sadd.s32 $0x1EB200, s0;
	s3 =	sor.u32 s1, s3;
	_ =	strace $0x8000004A  }
0x9: {  	s14 =	smul.u32 $0x186A00, s4;
	s4 =	sadd.s32 $0x2A00, s0;
	s1 =	ssub.s32 $0x2, s1  }
0xa: {  	s6 =	smul.u32 $0x186A, s3;
	s3 =	sadd.s32 $0xC6000, s0;
	s31 =	sshrl.u32 s1, $0x1  }
0xb: {  	s8 =	sshrl.u32 s14, $0x3;
	s1 =	ssub.s32 s1, s31;
	s13 =	sadd.s32 $0x1F40, s14  }
0xc: {  	s14 =	sadd.s32 $0x2EE0, s14;
	s0 =	sadd.s32 s6, s0;
	s6 =	sadd.s32 s3, s8  }
0xd: {  	s11 =	sadd.s32 $0x1F4, s8;
	s7 =	sadd.s32 s4, s8;
	s8 =	sadd.s32 s5, s8  }
0xe: {  	s16 =	smax.u32 s1, $0x1;
	s9 =	sadd.s32 s3, s11;
	s10 =	sadd.s32 s4, s11  }
0xf: {  	v0 =	vimm.f32 $0.0e+00;
	s11 =	sadd.s32 s5, s11;
	s12 =	sadd.s32 $0x189600, s0;
	s15 =	sadd.s32 $0x2AE800, s0  }
.LBB2_1:
0x10: {  	s0 =	simm.s32 $0x18700  }
0x11: {  	[tilespmem:s0], [sflag:$0x1] =	stream.linear.gather [hbm4b:s6+s2], $0xFA0, $0x38;
	[tilespmem:$0x1E700] =	vst v63  }
0x12: {  	_ = 	snop  }
0x13: {  	[tilespmem:s18], [sflag:$0x1] =	stream.linear.gather [hbm4b:s7+s2], $0xFA0, $0x38;
	[tilespmem:$0x1E700] =	vst v63  }
0x14: {  	_ = 	snop  }
0x15: {  	[tilespmem:s19], [sflag:$0x1] =	stream.linear.gather [hbm4b:s8+s2], $0xFA0, $0x38;
	[tilespmem:$0x1E700] =	vst v63  }
0x16: {  	_ = 	snop  }
0x17: {  	[tilespmem:s20], [sflag:$0x2] =	stream.linear.gather [hbm4b:s9+s2], $0xFA0, $0x38;
	[tilespmem:$0x1E700] =	vst v63  }
0x18: {  	_ = 	snop  }
0x19: {  	[tilespmem:s21], [sflag:$0x2] =	stream.linear.gather [hbm4b:s10+s2], $0xFA0, $0x38;
	[tilespmem:$0x1E700] =	vst v63  }
0x1a: {  	_ = 	snop  }
0x1b: {  	[tilespmem:s22], [sflag:$0x2] =	stream.linear.gather [hbm4b:s11+s2], $0xFA0, $0x38;
	[tilespmem:$0x1E700] =	vst v63  }
0x1c: {  	_ = 	snop  }
0x1d: {  	[tilespmem:s2], [sflag:$0x3] =	stream.linear.gather [hbm4b:s12+s2], $0xC350, $0x38;
	[tilespmem:$0x1E700] =	vst v63  }
0x1e: {  	_ =	swait.ge [sflag:s23], $0xC350  }
0x1f: {  	[sflag:s23] =	ssyncset.done $0x0  }
0x20: {  	s0 =	simm.s32 $0xC3C0;
	[sflag:s23] =	ssyncadd.s32 $0xFFFF3CB0  }
0x21: {  	[tilespmem:s0+$0xFFFFFFC0] =	vst v0  }
0x22: {  	[tilespmem:s0+$0x30] =	vst v0  }
0x23: {  	[tilespmem:s0+$0x20] =	vst v0  }
0x24: {  	[tilespmem:s0+$0x10] =	vst v0  }
0x25: {  	[tilespmem:s0+$0x0] =	vst v0  }
0x26: {  	[tilespmem:s0+$0xFFFFFFF0] =	vst v0  }
0x27: {  	s1 =	simm.s32 $0x0;
	[tilespmem:s0+$0xFFFFFFE0] =	vst v0  }
.LBB2_2:
0x28: {  	s1 =	sadd.s32 $0x8, s1;
	[tilespmem:s0+$0xFFFFFFD0] =	vst v0;
	s0 =	sadd.s32 $0x80, s0  }
0x29: {  	[tilespmem:s0+$0xFFFFFFC0] =	vst v0;
	p0 =	slt.u32 s1, $0xC28  }
0x2a: {  	[tilespmem:s0+$0x30] =	vst v0  }
.Ltmp0:
0x2b: {  	[tilespmem:s0+$0x20] =	vst v0;
	(pc) =	sbr.rel @p0 .LBB2_2-.Ltmp0, $4  }
0x2c: {  	[tilespmem:s0+$0x10] =	vst v0  }
0x2d: {  	[tilespmem:s0+$0x0] =	vst v0  }
0x2e: {  	[tilespmem:s0+$0xFFFFFFF0] =	vst v0  }
0x2f: {  	[tilespmem:s0+$0xFFFFFFE0] =	vst v0  }
0x30: {  	[tilespmem:s0+$0xFFFFFFD0] =	vst v0;
	s29 =	simm.s32 $0x0;
	s0 =	simm.s32 $0x0  }
.LBB2_4:
0x31: {  	p0 =	sne.s32 s0, $0x100  }
.Ltmp1:
0x32: {  	_ = 	snop;
	(pc) =	sbr.rel @p0 .LBB2_4-.Ltmp1, $3  }
0x33: {  	_ =	sdelay $0x1  }
0x34: {  	s1 =	sshra.s32 s0, $0x2  }
0x35: {  	s0 =	sadd.s32 $0x40, s0;
	[tilespmem:s1+$0x18680] =	vst v0  }
.Ltmp2:
0x36: {  	_ = 	snop;
	(pc) =	sbr.rel .LBB2_5-.Ltmp2, $1  }
0x37: {  	_ =	sdelay $0x3  }
.LBB2_14:
0x38: {  	s0 =	smul.u32 $0x1F40, s29;
	_ =	sdelay $0x1  }
0x39: {  	s0 =	sadd.s32 s0, s14  }
0x3a: {  	s0 =	sshrl.u32 s0, $0x3  }
0x3b: {  	s1 =	sadd.s32 s3, s0  }
0x3c: {  	[tilespmem:s20], [sflag:$0x2] =	stream.linear.gather [hbm4b:s1+s2], $0xFA0, $0x38;
	[tilespmem:$0x1E700] =	vst v63  }
0x3d: {  	s31 =	sadd.s32 s4, s0  }
0x3e: {  	[tilespmem:s21], [sflag:$0x2] =	stream.linear.gather [hbm4b:s31+s2], $0xFA0, $0x38;
	[tilespmem:$0x1E700] =	vst v63  }
0x3f: {  	s29 =	sadd.s32 $0x1, s29;
	s0 =	sadd.s32 s5, s0  }
0x40: {  	[tilespmem:s22], [sflag:$0x2] =	stream.linear.gather [hbm4b:s0+s2], $0xFA0, $0x38;
	[tilespmem:$0x1E700] =	vst v63  }
.LBB2_5:
0x41: {  	_ =	swait.ge [sflag:s24], $0xFA0  }
0x42: {  	[sflag:s24] =	ssyncset.done $0x0  }
0x43: {  	[sflag:s24] =	ssyncadd.s32 $0xFFFFF060  }
0x44: {  	_ =	swait.ge [sflag:s24], $0xFA0  }
0x45: {  	[sflag:s24] =	ssyncset.done $0x0  }
0x46: {  	[sflag:s24] =	ssyncadd.s32 $0xFFFFF060  }
0x47: {  	_ =	swait.ge [sflag:s24], $0xFA0  }
0x48: {  	[sflag:s24] =	ssyncset.done $0x0  }
0x49: {  	s1 =	simm.s32 $0x18740;
	[sflag:s24] =	ssyncadd.s32 $0xFFFFF060  }
0x4a: {  	v1 =	vld [tilespmem:s1+$0x30]  }
0x4b: {  	v2 =	vld [tilespmem:s1+$0xFFFFFFD0]  }
0x4c: {  	v3 =	vld [tilespmem:s1+$0xFFFFFFE0]  }
0x4d: {  	v4 =	vld [tilespmem:s1+$0xFFFFFFF0]  }
0x4e: {  	v5 =	vld [tilespmem:s1+$0x0]  }
0x4f: {  	s31 =	simm.s32 $0x1A740;
	v6 =	vld [tilespmem:s1+$0x10]  }
0x50: {  	s0 =	simm.s32 $0x1C740;
	v7 =	vld [tilespmem:s31+$0x30]  }
0x51: {  	v8 =	vld [tilespmem:s0+$0x30]  }
0x52: {  	v9 =	vld [tilespmem:s1+$0xFFFFFFC0]  }
0x53: {  	v10 =	vld [tilespmem:s1+$0x20]  }
0x54: {  	v57 =	vld [tilespmem:s31+$0xFFFFFFC0]  }
0x55: {  	v58 =	vld [tilespmem:s0+$0xFFFFFFC0]  }
0x56: {  	v59 =	vld [tilespmem:s0+$0xFFFFFFD0]  }
0x57: {  	s30 =	simm.s32 $0x0;
	v11 =	vld [tilespmem:s0+$0xFFFFFFE0]  }
0x58: {  	v1 =	vld.idx.msk [tilespmem:v1+s30+$0x0], $0xffff  }
0x59: {  	v12 =	vld [tilespmem:s31+$0xFFFFFFD0]  }
0x5a: {  	v13 =	vld [tilespmem:s0+$0xFFFFFFF0]  }
0x5b: {  	v14 =	vld [tilespmem:s0+$0x0]  }
0x5c: {  	v60 =	vld [tilespmem:s31+$0xFFFFFFE0]  }
0x5d: {  	v61 =	vld [tilespmem:s31+$0x0];
	v1 =	vmul.f32 v8, v1  }
0x5e: {  	v62 =	vld [tilespmem:s31+$0x10]  }
0x5f: {  	[tilespmem:v7+s25+$0x0] =	vst.idx.add.f32.msk $0xffff, v1  }
0x60: {  	v1 =	vld.idx.msk [tilespmem:v9+s30+$0x0], $0xffff  }
0x61: {  	v63 =	vld [tilespmem:s0+$0x10]  }
0x62: {  	v15 =	vld [tilespmem:s0+$0x20]  }
0x63: {  	v2 =	vld.idx.msk [tilespmem:v2+s30+$0x0], $0xffff  }
0x64: {  	v3 =	vld.idx.msk [tilespmem:v3+s30+$0x0], $0xffff  }
0x65: {  	v5 =	vld.idx.msk [tilespmem:v5+s30+$0x0], $0xffff;
	v1 =	vmul.f32 v58, v1  }
0x66: {  	v6 =	vld.idx.msk [tilespmem:v6+s30+$0x0], $0xffff  }
0x67: {  	[tilespmem:v57+s25+$0x0] =	vst.idx.add.f32.msk $0xffff, v1  }
0x68: {  	v1 =	vld [tilespmem:s31+$0xFFFFFFF0]  }
0x69: {  	v4 =	vld.idx.msk [tilespmem:v4+s30+$0x0], $0xffff;
	v2 =	vmul.f32 v59, v2  }
0x6a: {  	v10 =	vld.idx.msk [tilespmem:v10+s30+$0x0], $0xffff  }
0x6b: {  	v3 =	vmul.f32 v11, v3;
	[tilespmem:v12+s25+$0x0] =	vst.idx.add.f32.msk $0xffff, v2  }
0x6c: {  	v5 =	vmul.f32 v14, v5;
	v2 =	vld [tilespmem:s31+$0x20]  }
0x6d: {  	[tilespmem:v60+s25+$0x0] =	vst.idx.add.f32.msk $0xffff, v3;
	v3 =	vmul.f32 v63, v6  }
0x6e: {  	v4 =	vmul.f32 v13, v4;
	[tilespmem:v61+s25+$0x0] =	vst.idx.add.f32.msk $0xffff, v5  }
0x6f: {  	[tilespmem:v62+s25+$0x0] =	vst.idx.add.f32.msk $0xffff, v3  }
0x70: {  	s17 =	simm.s32 $0x187C0;
	s1 =	simm.s32 $0x0;
	[tilespmem:v1+s25+$0x0] =	vst.idx.add.f32.msk $0xffff, v4;
	v1 =	vmul.f32 v15, v10  }
.LBB2_6:
0x71: {  	v3 =	vld [tilespmem:s17+$0x30];
	s1 =	sadd.s32 $0x8, s1  }
0x72: {  	v4 =	vld [tilespmem:s17+$0xFFFFFFD0];
	p0 =	slt.u32 s1, $0xF0  }
0x73: {  	v5 =	vld [tilespmem:s17+$0xFFFFFFE0]  }
0x74: {  	v6 =	vld [tilespmem:s17+$0xFFFFFFF0]  }
0x75: {  	v7 =	vld [tilespmem:s17+$0x0]  }
0x76: {  	v8 =	vld [tilespmem:s17+$0x10]  }
0x77: {  	s31 =	sadd.s32 $0x80, s31;
	v9 =	vld [tilespmem:s17+$0x20]  }
0x78: {  	v10 =	vld [tilespmem:s31+$0x30]  }
0x79: {  	s0 =	sadd.s32 $0x80, s0;
	v3 =	vld.idx.msk [tilespmem:v3+s30+$0x0], $0xffff  }
0x7a: {  	v11 =	vld [tilespmem:s0+$0x30]  }
0x7b: {  	v12 =	vld [tilespmem:s17+$0xFFFFFFC0]  }
0x7c: {  	v4 =	vld.idx.msk [tilespmem:v4+s30+$0x0], $0xffff  }
0x7d: {  	v5 =	vld.idx.msk [tilespmem:v5+s30+$0x0], $0xffff  }
0x7e: {  	v6 =	vld.idx.msk [tilespmem:v6+s30+$0x0], $0xffff  }
0x7f: {  	v7 =	vld.idx.msk [tilespmem:v7+s30+$0x0], $0xffff;
	v3 =	vmul.f32 v11, v3  }
0x80: {  	v8 =	vld.idx.msk [tilespmem:v8+s30+$0x0], $0xffff  }
0x81: {  	[tilespmem:v10+s25+$0x0] =	vst.idx.add.f32.msk $0xffff, v3  }
0x82: {  	v3 =	vld.idx.msk [tilespmem:v9+s30+$0x0], $0xffff  }
0x83: {  	v9 =	vld.idx.msk [tilespmem:v12+s30+$0x0], $0xffff  }
0x84: {  	v10 =	vld [tilespmem:s0+$0xFFFFFFC0]  }
0x85: {  	v11 =	vld [tilespmem:s0+$0xFFFFFFD0]  }
0x86: {  	v12 =	vld [tilespmem:s0+$0xFFFFFFE0]  }
0x87: {  	v13 =	vld [tilespmem:s0+$0xFFFFFFF0]  }
0x88: {  	v14 =	vld [tilespmem:s0+$0x0]  }
0x89: {  	v9 =	vmul.f32 v10, v9;
	v10 =	vld [tilespmem:s0+$0x10]  }
0x8a: {  	v4 =	vmul.f32 v11, v4;
	v11 =	vld [tilespmem:s0+$0x20]  }
0x8b: {  	v15 =	vld [tilespmem:s31+$0xFFFFFFC0];
	v5 =	vmul.f32 v12, v5  }
0x8c: {  	v12 =	vld [tilespmem:s31+$0xFFFFFFD0];
	v6 =	vmul.f32 v13, v6  }
0x8d: {  	v13 =	vld [tilespmem:s31+$0xFFFFFFE0];
	v7 =	vmul.f32 v14, v7  }
0x8e: {  	v14 =	vld [tilespmem:s31+$0xFFFFFFF0];
	v8 =	vmul.f32 v10, v8  }
0x8f: {  	v10 =	vld [tilespmem:s31+$0x0];
	v3 =	vmul.f32 v11, v3  }
0x90: {  	v11 =	vld [tilespmem:s31+$0x10]  }
0x91: {  	v16 =	vld [tilespmem:s31+$0x20]  }
0x92: {  	[tilespmem:v2+s25+$0x0] =	vst.idx.add.f32.msk $0xffff, v1;
	v1 =	vmov v3  }
0x93: {  	[tilespmem:v15+s25+$0x0] =	vst.idx.add.f32.msk $0xffff, v9  }
.Ltmp3:
0x94: {  	[tilespmem:v12+s25+$0x0] =	vst.idx.add.f32.msk $0xffff, v4;
	(pc) =	sbr.rel @p0 .LBB2_6-.Ltmp3, $4  }
0x95: {  	[tilespmem:v13+s25+$0x0] =	vst.idx.add.f32.msk $0xffff, v5  }
0x96: {  	[tilespmem:v14+s25+$0x0] =	vst.idx.add.f32.msk $0xffff, v6;
	v2 =	vmov v16  }
0x97: {  	[tilespmem:v10+s25+$0x0] =	vst.idx.add.f32.msk $0xffff, v7  }
0x98: {  	s17 =	sadd.s32 $0x80, s17;
	[tilespmem:v11+s25+$0x0] =	vst.idx.add.f32.msk $0xffff, v8  }
0x99: {  	_ =	sdelay $0x3  }
0x9a: {  	[tilespmem:v2+s25+$0x0] =	vst.idx.add.f32.msk $0xffff, v1  }
.LBB2_8:
0x9b: {  	s0 =	sshra.s32 s30, $0x2  }
0x9c: {  	v1 =	vld [tilespmem:s0+$0x19680];
	_ =	sdelay $0x5  }
0x9d: {  	v2 =	vld [tilespmem:s0+$0x1B680]  }
0x9e: {  	v3 =	vld [tilespmem:s0+$0x1D680]  }
0x9f: {  	v1 =	vld.idx.msk [tilespmem:v1+s2+$0x0], $0xffff;
	_ =	sdelay $0x1  }
0xa0: {  	p0 =	sne.s32 s30, $0x40  }
.Ltmp4:
0xa1: {  	_ = 	snop;
	(pc) =	sbr.rel @p0 .LBB2_8-.Ltmp4, $3  }
0xa2: {  	_ = 	snop  }
0xa3: {  	v1 =	vmul.f32 v3, v1;
	_ =	sdelay $0x1  }
0xa4: {  	s30 =	sadd.s32 $0x40, s30;
	[tilespmem:v2+s25+$0x0] =	vst.idx.add.f32.msk $0xffff, v1  }
0xa5: {  	p0 =	seq.s32 s29, $0xC7  }
0xa6: {  	s0 =	smul.u32 @!p0 $0x1F40, s29;
	_ =	sdelay $0x1  }
0xa7: {  	s0 =	sadd.s32 @!p0 s0, s13  }
0xa8: {  	s0 =	sshrl.u32 @!p0 s0, $0x3  }
0xa9: {  	s17 =	simm.s32 @!p0 $0x0;
	s30 =	simm.s32 @!p0 $0x18700;
	s1 =	sadd.s32 @!p0 s3, s0  }
0xaa: {  	[tilespmem:s30], [sflag:$0x1] =	stream.linear.gather @!p0 [hbm4b:s1+s17], $0xFA0, $0x38;
	[tilespmem:$0x1E700] =	vst v63  }
0xab: {  	s1 =	sadd.s32 @!p0 s4, s0;
	s30 =	simm.s32 @!p0 $0x1A700  }
0xac: {  	[tilespmem:s30], [sflag:$0x1] =	stream.linear.gather @!p0 [hbm4b:s1+s17], $0xFA0, $0x38;
	[tilespmem:$0x1E700] =	vst v63  }
0xad: {  	s0 =	sadd.s32 @!p0 s5, s0;
	s1 =	simm.s32 @!p0 $0x1C700  }
0xae: {  	[tilespmem:s1], [sflag:$0x1] =	stream.linear.gather @!p0 [hbm4b:s0+s17], $0xFA0, $0x38;
	[tilespmem:$0x1E700] =	vst v63  }
0xaf: {  	_ =	swait.ge [sflag:s26], $0xFA0  }
0xb0: {  	[sflag:s26] =	ssyncset.done $0x0  }
0xb1: {  	[sflag:s26] =	ssyncadd.s32 $0xFFFFF060  }
0xb2: {  	_ =	swait.ge [sflag:s26], $0xFA0  }
0xb3: {  	[sflag:s26] =	ssyncset.done $0x0  }
0xb4: {  	[sflag:s26] =	ssyncadd.s32 $0xFFFFF060  }
0xb5: {  	_ =	swait.ge [sflag:s26], $0xFA0  }
0xb6: {  	[sflag:s26] =	ssyncset.done $0x0  }
0xb7: {  	s17 =	simm.s32 $0x19740;
	[sflag:s26] =	ssyncadd.s32 $0xFFFFF060  }
0xb8: {  	v1 =	vld [tilespmem:s17+$0x30]  }
0xb9: {  	v2 =	vld [tilespmem:s17+$0xFFFFFFD0]  }
0xba: {  	v3 =	vld [tilespmem:s17+$0xFFFFFFE0]  }
0xbb: {  	v4 =	vld [tilespmem:s17+$0xFFFFFFF0]  }
0xbc: {  	v5 =	vld [tilespmem:s17+$0x0]  }
0xbd: {  	s31 =	simm.s32 $0x1B740;
	v6 =	vld [tilespmem:s17+$0x10]  }
0xbe: {  	s0 =	simm.s32 $0x1D740;
	v7 =	vld [tilespmem:s31+$0x30]  }
0xbf: {  	v8 =	vld [tilespmem:s0+$0x30]  }
0xc0: {  	v9 =	vld [tilespmem:s17+$0xFFFFFFC0]  }
0xc1: {  	v10 =	vld [tilespmem:s17+$0x20]  }
0xc2: {  	v57 =	vld [tilespmem:s31+$0xFFFFFFC0]  }
0xc3: {  	v58 =	vld [tilespmem:s0+$0xFFFFFFC0]  }
0xc4: {  	v59 =	vld [tilespmem:s0+$0xFFFFFFD0]  }
0xc5: {  	s30 =	simm.s32 $0x0;
	v11 =	vld [tilespmem:s0+$0xFFFFFFE0]  }
0xc6: {  	v1 =	vld.idx.msk [tilespmem:v1+s30+$0x0], $0xffff  }
0xc7: {  	v12 =	vld [tilespmem:s31+$0xFFFFFFD0]  }
0xc8: {  	v13 =	vld [tilespmem:s0+$0xFFFFFFF0]  }
0xc9: {  	v14 =	vld [tilespmem:s0+$0x0]  }
0xca: {  	v60 =	vld [tilespmem:s31+$0xFFFFFFE0]  }
0xcb: {  	v61 =	vld [tilespmem:s31+$0x0];
	v1 =	vmul.f32 v8, v1  }
0xcc: {  	v62 =	vld [tilespmem:s31+$0x10]  }
0xcd: {  	[tilespmem:v7+s25+$0x0] =	vst.idx.add.f32.msk $0xffff, v1  }
0xce: {  	v1 =	vld.idx.msk [tilespmem:v9+s30+$0x0], $0xffff  }
0xcf: {  	v63 =	vld [tilespmem:s0+$0x10]  }
0xd0: {  	v15 =	vld [tilespmem:s0+$0x20]  }
0xd1: {  	v2 =	vld.idx.msk [tilespmem:v2+s30+$0x0], $0xffff  }
0xd2: {  	v3 =	vld.idx.msk [tilespmem:v3+s30+$0x0], $0xffff  }
0xd3: {  	v5 =	vld.idx.msk [tilespmem:v5+s30+$0x0], $0xffff;
	v1 =	vmul.f32 v58, v1  }
0xd4: {  	v6 =	vld.idx.msk [tilespmem:v6+s30+$0x0], $0xffff  }
0xd5: {  	[tilespmem:v57+s25+$0x0] =	vst.idx.add.f32.msk $0xffff, v1  }
0xd6: {  	v1 =	vld [tilespmem:s31+$0xFFFFFFF0]  }
0xd7: {  	v4 =	vld.idx.msk [tilespmem:v4+s30+$0x0], $0xffff;
	v2 =	vmul.f32 v59, v2  }
0xd8: {  	v10 =	vld.idx.msk [tilespmem:v10+s30+$0x0], $0xffff  }
0xd9: {  	v3 =	vmul.f32 v11, v3;
	[tilespmem:v12+s25+$0x0] =	vst.idx.add.f32.msk $0xffff, v2  }
0xda: {  	v5 =	vmul.f32 v14, v5;
	v2 =	vld [tilespmem:s31+$0x20]  }
0xdb: {  	[tilespmem:v60+s25+$0x0] =	vst.idx.add.f32.msk $0xffff, v3;
	v3 =	vmul.f32 v63, v6  }
0xdc: {  	v4 =	vmul.f32 v13, v4;
	[tilespmem:v61+s25+$0x0] =	vst.idx.add.f32.msk $0xffff, v5  }
0xdd: {  	[tilespmem:v62+s25+$0x0] =	vst.idx.add.f32.msk $0xffff, v3  }
0xde: {  	s1 =	simm.s32 $0x0;
	s17 =	simm.s32 $0x197C0;
	[tilespmem:v1+s25+$0x0] =	vst.idx.add.f32.msk $0xffff, v4;
	v1 =	vmul.f32 v15, v10  }
.LBB2_10:
0xdf: {  	v3 =	vld [tilespmem:s17+$0x30];
	s1 =	sadd.s32 $0x8, s1  }
0xe0: {  	v4 =	vld [tilespmem:s17+$0xFFFFFFD0];
	p1 =	slt.u32 s1, $0xF0  }
0xe1: {  	v5 =	vld [tilespmem:s17+$0xFFFFFFE0]  }
0xe2: {  	v6 =	vld [tilespmem:s17+$0xFFFFFFF0]  }
0xe3: {  	v7 =	vld [tilespmem:s17+$0x0]  }
0xe4: {  	v8 =	vld [tilespmem:s17+$0x10]  }
0xe5: {  	s31 =	sadd.s32 $0x80, s31;
	v9 =	vld [tilespmem:s17+$0x20]  }
0xe6: {  	v10 =	vld [tilespmem:s31+$0x30]  }
0xe7: {  	s0 =	sadd.s32 $0x80, s0;
	v3 =	vld.idx.msk [tilespmem:v3+s30+$0x0], $0xffff  }
0xe8: {  	v11 =	vld [tilespmem:s0+$0x30]  }
0xe9: {  	v12 =	vld [tilespmem:s17+$0xFFFFFFC0]  }
0xea: {  	v4 =	vld.idx.msk [tilespmem:v4+s30+$0x0], $0xffff  }
0xeb: {  	v5 =	vld.idx.msk [tilespmem:v5+s30+$0x0], $0xffff  }
0xec: {  	v6 =	vld.idx.msk [tilespmem:v6+s30+$0x0], $0xffff  }
0xed: {  	v7 =	vld.idx.msk [tilespmem:v7+s30+$0x0], $0xffff;
	v3 =	vmul.f32 v11, v3  }
0xee: {  	v8 =	vld.idx.msk [tilespmem:v8+s30+$0x0], $0xffff  }
0xef: {  	[tilespmem:v10+s25+$0x0] =	vst.idx.add.f32.msk $0xffff, v3  }
0xf0: {  	v3 =	vld.idx.msk [tilespmem:v9+s30+$0x0], $0xffff  }
0xf1: {  	v9 =	vld.idx.msk [tilespmem:v12+s30+$0x0], $0xffff  }
0xf2: {  	v10 =	vld [tilespmem:s0+$0xFFFFFFC0]  }
0xf3: {  	v11 =	vld [tilespmem:s0+$0xFFFFFFD0]  }
0xf4: {  	v12 =	vld [tilespmem:s0+$0xFFFFFFE0]  }
0xf5: {  	v13 =	vld [tilespmem:s0+$0xFFFFFFF0]  }
0xf6: {  	v14 =	vld [tilespmem:s0+$0x0]  }
0xf7: {  	v9 =	vmul.f32 v10, v9;
	v10 =	vld [tilespmem:s0+$0x10]  }
0xf8: {  	v4 =	vmul.f32 v11, v4;
	v11 =	vld [tilespmem:s0+$0x20]  }
0xf9: {  	v15 =	vld [tilespmem:s31+$0xFFFFFFC0];
	v5 =	vmul.f32 v12, v5  }
0xfa: {  	v12 =	vld [tilespmem:s31+$0xFFFFFFD0];
	v6 =	vmul.f32 v13, v6  }
0xfb: {  	v13 =	vld [tilespmem:s31+$0xFFFFFFE0];
	v7 =	vmul.f32 v14, v7  }
0xfc: {  	v14 =	vld [tilespmem:s31+$0xFFFFFFF0];
	v8 =	vmul.f32 v10, v8  }
0xfd: {  	v10 =	vld [tilespmem:s31+$0x0];
	v3 =	vmul.f32 v11, v3  }
0xfe: {  	v11 =	vld [tilespmem:s31+$0x10]  }
0xff: {  	v16 =	vld [tilespmem:s31+$0x20]  }
0x100: {  	[tilespmem:v2+s25+$0x0] =	vst.idx.add.f32.msk $0xffff, v1;
	v1 =	vmov v3  }
0x101: {  	[tilespmem:v15+s25+$0x0] =	vst.idx.add.f32.msk $0xffff, v9  }
.Ltmp5:
0x102: {  	[tilespmem:v12+s25+$0x0] =	vst.idx.add.f32.msk $0xffff, v4;
	(pc) =	sbr.rel @p1 .LBB2_10-.Ltmp5, $4  }
0x103: {  	[tilespmem:v13+s25+$0x0] =	vst.idx.add.f32.msk $0xffff, v5  }
0x104: {  	[tilespmem:v14+s25+$0x0] =	vst.idx.add.f32.msk $0xffff, v6;
	v2 =	vmov v16  }
0x105: {  	[tilespmem:v10+s25+$0x0] =	vst.idx.add.f32.msk $0xffff, v7  }
0x106: {  	s17 =	sadd.s32 $0x80, s17;
	[tilespmem:v11+s25+$0x0] =	vst.idx.add.f32.msk $0xffff, v8  }
0x107: {  	_ =	sdelay $0x3  }
0x108: {  	[tilespmem:v2+s25+$0x0] =	vst.idx.add.f32.msk $0xffff, v1  }
.LBB2_12:
0x109: {  	s0 =	sshra.s32 s30, $0x2  }
0x10a: {  	v1 =	vld [tilespmem:s0+$0x1A680];
	_ =	sdelay $0x5  }
0x10b: {  	v2 =	vld [tilespmem:s0+$0x1C680]  }
0x10c: {  	v3 =	vld [tilespmem:s0+$0x1E680]  }
0x10d: {  	v1 =	vld.idx.msk [tilespmem:v1+s2+$0x0], $0xffff;
	_ =	sdelay $0x1  }
0x10e: {  	p1 =	sne.s32 s30, $0x40  }
.Ltmp6:
0x10f: {  	_ = 	snop;
	(pc) =	sbr.rel @p1 .LBB2_12-.Ltmp6, $3  }
0x110: {  	_ = 	snop  }
0x111: {  	v1 =	vmul.f32 v3, v1;
	_ =	sdelay $0x1  }
0x112: {  	s30 =	sadd.s32 $0x40, s30;
	[tilespmem:v2+s25+$0x0] =	vst.idx.add.f32.msk $0xffff, v1  }
.Ltmp7:
0x113: {  	(pc) =	sbr.rel @!p0 .LBB2_14-.Ltmp7, $1  }
0x114: {  	_ =	sdelay $0x3  }
0x115: {  	s28 =	sadd.s32 $0x1, s28  }
0x116: {  	p0 =	sne.s32 s28, s16  }
.Ltmp8:
0x117: {  	_ = 	snop;
	(pc) =	sbr.rel @p0 .LBB2_1-.Ltmp8, $4  }
0x118: {  	[hbm4b:s15+s2] =	stream.linear.scatter [tilespmem:s25], [sflag:$0x3], $0xC350, $0x38;
	[tilespmem:$0x1E700] =	vst v63  }
0x119: {  	_ =	swait.ge [sflag:s23], $0xC350  }
0x11a: {  	[sflag:s23] =	ssyncset.done $0x0  }
0x11b: {  	[sflag:s23] =	ssyncadd.s32 $0xFFFF3CB0  }
0x11c: {  	_ =	sfence.sel $0x180000  }
0x11d: {  	[bflag:$0x0] =	sbarrier.arrive $0xFFFF  }
0x11e: {  	_ =	strace $0x9000004A  }
0x11f: {  	s0 =	stileid.u32;
	[bflag:$0x2] =	sbarrier.arrive $0xFFFF  }
0x120: {  	p0 =	sne.s32 s0, $0x0;
	s0 =	rddreg [dreg:$0x1]  }
0x121: {  	s0 =	sadd.s32 @!p0 $0x100000, s0  }
0x122: {  	[sflag:s0] =	ssyncadd.tile.s32 @!p0 $0x1;
	_ =	shalt  }
.Lfunc_end2:
_tile_overlayer_lowered:
.L_overlay_start_2:
0x123: {  	(tag) =	ssettag $0x2  }
0x124: {  	s0 =	rddreg [dreg:$0x0];
	s2 =	stileid.u32  }
0x125: {  	s1 =	rddreg [dreg:$0x1];
	p0 =	sne.s32 s2, $0x0  }
0x126: {  	s3 =	rddreg [dreg:$0x2];
	[bflag:$0x3] =	sbarrier.arrive $0xFFFF;
	s2 =	simm.s32 @!p0 $0x1C03  }
0x127: {  	[timem:s3], [sflag:s2] =	dma.local @!p0 [hbm:s0], s1  }
0x128: {  	s0 =	simm.s32 @!p0 $0x3  }
0x129: {  	_ =	swait.ge @!p0 [sflag:s0], s1  }
0x12a: {  	s1 =	ssub.s32 @!p0 $0x0, s1;
	[sflag:s0] =	ssyncset.done @!p0 $0x0  }
0x12b: {  	[sflag:s0] =	ssyncadd.s32 @!p0 s1  }
0x12c: {  	[bflag:$0x3] =	sbarrier.arrive $0xFFFF  }
0x12d: {  	_ =	shalt  }

// kernel: kernel.14.cloned.1.call-start
scs
__scs_entry_jumppad:
0x0: {  	(pc) =	sbr.rel $0x88, $3  }
0x1: {  	(tag) =	ssettag $0x0;
	lr =	simm.s32 $0x1  }
0x2: {  	[smem:$0x3F99] =	sst lr;
	_ =	strace $0xD0000000  }
0x3: {  	_ = 	snop  }
0x4: {  	_ = 	snop  }
0x5: {  	_ = 	snop  }
0x6: {  	_ = 	snop  }
0x7: {  	_ = 	snop  }
__scs_overlays_trampoline_lowered:
0x8: {  	[smem:$0x3FA8] =	sst s0  }
0x9: {  	[smem:$0x3FA9] =	sst s1  }
0xa: {  	[smem:$0x3FAA] =	sst s2  }
0xb: {  	[smem:$0x3FAB] =	sst s3  }
0xc: {  	[smem:$0x3FAC] =	sst s4  }
0xd: {  	[smem:$0x3FAD] =	sst s5  }
0xe: {  	[smem:$0x3FAE] =	sst s6  }
0xf: {  	[smem:$0x3FAF] =	sst s7  }
0x10: {  	[smem:$0x3FB0] =	sst s8  }
0x11: {  	[smem:$0x3FB1] =	sst s9;
	s0 =	simm.s32 @!p0 $0x0  }
0x12: {  	s1 =	sld [smem:$0x3F97];
	s0 =	simm.s32 @p0 $0x1  }
0x13: {  	[smem:$0x3FB2] =	sst s0;
	s0 =	simm.s32 @!p1 $0x0  }
0x14: {  	s2 =	sld [smem:$0x3F96];
	s0 =	simm.s32 @p1 $0x1  }
0x15: {  	[smem:$0x3FB3] =	sst s0;
	s0 =	simm.s32 @!p2 $0x0  }
0x16: {  	s3 =	sld [smem:$0x3FDB];
	s0 =	simm.s32 @p2 $0x1  }
0x17: {  	s4 =	simm.s32 $0x1BF5;
	[smem:$0x3FB5] =	sst s0  }
0x18: {  	s0 =	sld [smem:$0x3F98];
	_ =	swait.ge [sflag:s4], $0x0  }
0x19: {  	s7 =	sld [smem:$0x3F99]  }
0x1a: {  	s8 =	sadd.s32 $0xFFFFE003, lr  }
0x1b: {  	s9 =	sadd.s32 $0xFFFFFEF7, lr;
	s5 =	simm.s32 $0xFFFFFFFF;
	p2 =	slt.u32 s8, $0xFFFFF086  }
0x1c: {  	p1 =	slt.u32 s9, $0xF7A;
	s5 =	simm.s32 @!p2 $0x0  }
0x1d: {  	s5 =	simm.s32 @p1 $0x1;
	p0 =	seq.s32 s7, s2  }
0x1e: {  	s7 =	smul.u32 @!p0 $0xF7A, s2;
	p2 =	seq.s32 @!p0 s5, $0x0  }
0x1f: {  	s9 =	smul.u32 $0xF7A, s1;
	s8 =	simm.s32 @!p0 $0x1BF5;
	p2 =	por !p2, p0  }
0x20: {  	[sflag:s8] =	ssyncset.s32 @!p0 $0xFFFFF086;
	s6 =	sadd.s32 @!p0 s3, s7;
	s7 =	simm.s32 @!p0 $0x108  }
0x21: {  	s3 =	sadd.s32 s3, s9;
	s6 =	sadd.s32 @!p0 $0x88, s6;
	s7 =	simm.s32 @p2 $0x1082  }
0x22: {  	[simem:s7], [sflag:s8] =	dma.local @!p0 [hbm:s6], $0xF7A  }
0x23: {  	s9 =	sor.u32 $0xD0000000, s2;
	s6 =	simm.s32 $0x108;
	_ =	swait.ge @!p0 [sflag:s8], $0x0  }
0x24: {  	s3 =	sadd.s32 $0x88, s3;
	s6 =	simm.s32 @!p1 $0x1082;
	[sflag:s4] =	ssyncset.s32 $0xFFFFF086  }
0x25: {  	[simem:s6], [sflag:s4] =	dma.local [hbm:s3], $0xF7A  }
0x26: {  	[smem:$0x3F99] =	sst s1;
	(tag) =	ssettag s2;
	_ =	strace s9  }
0x27: {  	s1 =	sld [smem:$0x3FA9]  }
0x28: {  	s2 =	sld [smem:$0x3FAA]  }
0x29: {  	s4 =	sld [smem:$0x3FAC]  }
0x2a: {  	p0 =	seq.s32 s5, $0x0;
	s5 =	sld [smem:$0x3FAD]  }
0x2b: {  	s6 =	sld [smem:$0x3FAE]  }
0x2c: {  	s7 =	sld [smem:$0x3FAF]  }
0x2d: {  	s3 =	simm.s32 $0x108;
	s8 =	sld [smem:$0x3FB0]  }
0x2e: {  	s3 =	simm.s32 @!p0 $0x1082;
	s9 =	sld [smem:$0x3FB1]  }
0x2f: {  	lr =	sadd.s32 s0, s3;
	s0 =	sld [smem:$0x3FA8]  }
0x30: {  	s3 =	sld [smem:$0x3FAB]  }
0x31: {  	[smem:$0x3FB4] =	sst s10  }
0x32: {  	s10 =	sld [smem:$0x3FB2];
	_ =	sdelay $0x3  }
0x33: {  	p0 =	seq.s32 s10, $0x1;
	s10 =	sld [smem:$0x3FB4];
	_ =	sdelay $0x3  }
0x34: {  	[smem:$0x3FB4] =	sst s10  }
0x35: {  	s10 =	sld [smem:$0x3FB3];
	_ =	sdelay $0x3  }
0x36: {  	p1 =	seq.s32 s10, $0x1;
	s10 =	sld [smem:$0x3FB4];
	_ =	sdelay $0x3  }
0x37: {  	[smem:$0x3FB4] =	sst s10  }
0x38: {  	s10 =	sld [smem:$0x3FB5]  }
0x39: {  	_ = 	snop;
	(pc) =	sbr.ind lr, $3  }
0x3a: {  	_ = 	snop  }
0x3b: {  	_ = 	snop  }
0x3c: {  	p2 =	seq.s32 s10, $0x1;
	s10 =	sld [smem:$0x3FB4]  }
0x3d: {  	_ =	shalt  }
0x3e: {  	_ =	shalt  }
0x3f: {  	_ =	shalt  }
0x40: {  	_ =	shalt  }
0x41: {  	_ =	shalt  }
0x42: {  	_ =	shalt  }
0x43: {  	_ =	shalt  }
0x44: {  	_ =	shalt  }
0x45: {  	_ =	shalt  }
0x46: {  	_ =	shalt  }
0x47: {  	_ =	shalt  }
0x48: {  	_ =	shalt  }
0x49: {  	_ =	shalt  }
0x4a: {  	_ =	shalt  }
0x4b: {  	_ =	shalt  }
0x4c: {  	_ =	shalt  }
0x4d: {  	_ =	shalt  }
0x4e: {  	_ =	shalt  }
0x4f: {  	_ =	shalt  }
0x50: {  	_ =	shalt  }
0x51: {  	_ =	shalt  }
0x52: {  	_ =	shalt  }
0x53: {  	_ =	shalt  }
0x54: {  	_ =	shalt  }
0x55: {  	_ =	shalt  }
0x56: {  	_ =	shalt  }
0x57: {  	_ =	shalt  }
0x58: {  	_ =	shalt  }
0x59: {  	_ =	shalt  }
0x5a: {  	_ =	shalt  }
0x5b: {  	_ =	shalt  }
0x5c: {  	_ =	shalt  }
0x5d: {  	_ =	shalt  }
0x5e: {  	_ =	shalt  }
0x5f: {  	_ =	shalt  }
0x60: {  	_ =	shalt  }
0x61: {  	_ =	shalt  }
0x62: {  	_ =	shalt  }
0x63: {  	_ =	shalt  }
0x64: {  	_ =	shalt  }
0x65: {  	_ =	shalt  }
0x66: {  	_ =	shalt  }
0x67: {  	_ =	shalt  }
0x68: {  	_ =	shalt  }
0x69: {  	_ =	shalt  }
0x6a: {  	_ =	shalt  }
0x6b: {  	_ =	shalt  }
0x6c: {  	_ =	shalt  }
0x6d: {  	_ =	shalt  }
0x6e: {  	_ =	shalt  }
0x6f: {  	_ =	shalt  }
0x70: {  	_ =	shalt  }
0x71: {  	_ =	shalt  }
0x72: {  	_ =	shalt  }
0x73: {  	_ =	shalt  }
0x74: {  	_ =	shalt  }
0x75: {  	_ =	shalt  }
0x76: {  	_ =	shalt  }
0x77: {  	_ =	shalt  }
0x78: {  	_ =	shalt  }
0x79: {  	_ =	shalt  }
0x7a: {  	_ =	shalt  }
0x7b: {  	_ =	shalt  }
0x7c: {  	_ =	shalt  }
0x7d: {  	_ =	shalt  }
0x7e: {  	_ =	shalt  }
0x7f: {  	_ =	shalt  }
0x80: {  	_ =	shalt  }
0x81: {  	_ =	shalt  }
0x82: {  	_ =	shalt  }
0x83: {  	_ =	shalt  }
0x84: {  	_ =	shalt  }
0x85: {  	_ =	shalt  }
0x86: {  	_ =	shalt  }
0x87: {  	_ =	shalt  }
.Lfunc_end0:
.L_simem_size_0:
called_computation.2_lowered:
.L_overlay_start_0:
0x88: {  	s2 =	sld [smem:$0x3FD9]  }
0x89: {  	s3 =	sld [smem:$0x3FFE];
	_ =	sdelay $0x1  }
0x8a: {  	s1 =	srdreg.scid  }
0x8b: {  	s0 =	sand.u32 $0x1, s1  }
0x8c: {  	s16 =	sshll.u32 s0, $0xA;
	s2 =	sadd.s32 s3, s2  }
0x8d: {  	s2 =	sadd.s32 s2, s16  }
0x8e: {  	[smem:$0x3FC0] =	sst s2  }
0x8f: {  	_ = 	snop  }
0x90: {  	(tm) =	ssettm $0x1  }
0x91: {  	s17 =	sld [smem:$0x3FFB];
	_ =	sdelay $0x3  }
0x92: {  	_ =	strace s17  }
0x93: {  	s2 =	sld [smem:$0x3FFC];
	_ =	sdelay $0x3  }
0x94: {  	_ =	strace s2  }
0x95: {  	s2 =	sld [smem:$0x3FFD];
	_ =	sdelay $0x3  }
0x96: {  	_ =	strace s2  }
0x97: {  	_ =	strace $0x8FFFFFFF  }
0x98: {  	s18 =	sld [smem:$0x3FDB];
	_ =	sdelay $0x1  }
0x99: {  	s19 =	simm.s32 $_scs_section_size  }
0x9a: {  	s4 =	simm.s32 $_size__tile_overlayer_lowered;
	s5 =	simm.s32 $_tile_overlayer_lowered  }
0x9b: {  	s22 =	simm.s32 $0x1BFF;
	s21 =	sshll.u32 s5, $0x1;
	s2 =	sadd.s32 s19, s18  }
0x9c: {  	s6 =	simm.s32 $0x0;
	s20 =	sshll.u32 s4, $0x1;
	s4 =	sadd.s32 s21, s2  }
0x9d: {  	[timem:s6], [sflag:s22] =	dma.local [hbm:s4], s20  }
0x9e: {  	_ =	swait.ge [sflag:s22], s20  }
0x9f: {  	s3 =	ssub.s32 $0x0, s20;
	[sflag:s22] =	ssyncset.done $0x0  }
0xa0: {  	[sflag:s22] =	ssyncadd.s32 s3;
	_ =	sdelay $0x1  }
0xa1: {  	s23 =	simm.s32 $0x1B8B  }
0xa2: {  	_ =	swait.ge [sflag:s23], $0x1  }
0xa3: {  	[sflag:s23] =	ssyncset.done $0x0  }
0xa4: {  	s25 =	simm.s32 $0x1B8E;
	s24 =	sld [smem:$0x3FFE];
	[sflag:s23] =	ssyncadd.s32 $0xFFFFFFFF  }
0xa5: {  	s26 =	simm.s32 $execute0_lowered;
	[smem:$0x3FD2] =	sst s25  }
0xa6: {  	s4 =	sshll.u32 s26, $0x1;
	_ =	strace $0x8000004C;
	[dreg:$0x1] =	wrdreg $0xFFFFFFFF  }
0xa7: {  	s28 =	simm.s32 $_size_execute0_lowered;
	s2 =	sadd.s32 s2, s4;
	[dreg:$0x0] =	wrdreg $0x0  }
0xa8: {  	s4 =	sshll.u32 s28, $0x1;
	[dreg:$0x2] =	wrdreg s2  }
0xa9: {  	[dreg:$0x3] =	wrdreg s4  }
0xaa: {  	[dreg:$0x4] =	wrdreg $0xC0  }
0xab: {  	_ =	task [dreg:s6], $0x5FFFF  }
0xac: {  	[dreg:$0x1] =	wrdreg $0xFFFFFFFF  }
0xad: {  	[dreg:$0x0] =	wrdreg $0x60  }
0xae: {  	[dreg:$0x2] =	wrdreg s24  }
0xaf: {  	[dreg:$0x3] =	wrdreg $0x9  }
0xb0: {  	_ =	task.clear_ibuf [dreg:s6], $0x4FFFF;
	_ =	strace $0x9000004C  }
0xb1: {  	s29 =	simm.s32 $0x9;
	_ =	strace $0x8000004E  }
0xb2: {  	_ =	swait.ge [sflag:s29], $0x1  }
0xb3: {  	[sflag:s29] =	ssyncadd.s32 $0xFFFFFFFF  }
0xb4: {  	_ =	strace $0x9000004E  }
0xb5: {  	_ =	sfence  }
0xb6: {  	s30 =	sld [smem:$0x0];
	_ =	sdelay $0x2  }
0xb7: {  	s31 =	sshll.u32 s1, $0xD;
	s1 =	sshrl.u32 s1, $0x2  }
0xb8: {  	s3 =	sand.u32 $0x4000, s31;
	s1 =	sadd.s32 s1, s30  }
0xb9: {  	s0 =	sor.u32 s3, s0;
	s1 =	sshll.u32 s1, $0x11  }
0xba: {  	s0 =	sor.u32 s1, s0  }
0xbb: {  	s0 =	sadd.s32 $0x8F2B, s0  }
0xbc: {  	[sflag:s0] =	ssyncadd.remote.s32 $0x1  }
0xbd: {  	_ =	sfence.sel $0xFFFF  }
0xbe: {  	[dreg:$0x0] =	wrdreg $0xFFFFFFFF;
	(pc) =	sbr.abs _section_cstart, $3  }
0xbf: {  	[dreg:$0x1] =	wrdreg $0xFFFFFFFF  }
0xc0: {  	_ =	task.clear_ibuf [dreg:s6], $0x2FFFF;
	_ =	strace $0x9FFFFFFF  }
0xc1: {  	(tm) =	ssettm $0x7FFFFFFF  }
tec
execute0_lowered:
.L_overlay_start_1:
0x0: {  	(tag) =	ssettag $0x1  }
0x1: {  	s0 =	rddreg [dreg:$0x0]  }
0x2: {  	s1 =	srdreg.scid;
	s4 =	stileid.u32  }
0x3: {  	s2 =	simm.s32 $0x0;
	s18 =	simm.s32 $0x1A700;
	s19 =	simm.s32 $0x1C700  }
0x4: {  	s20 =	simm.s32 $0x19700;
	s21 =	simm.s32 $0x1B700;
	s22 =	simm.s32 $0x1D700  }
0x5: {  	s23 =	simm.s32 $0x3;
	s24 =	simm.s32 $0x1;
	s25 =	simm.s32 $0xC380  }
0x6: {  	s26 =	simm.s32 $0x2;
	s28 =	simm.s32 $0x0;
	s1 =	sand.u32 $0x1, s1  }
0x7: {  	s3 =	sshll.u32 s4, $0x1;
	[smem:$0x7FF] =	sst s2;
	s4 =	sshrl.u32 s4, $0x2  }
0x8: {  	s5 =	sadd.s32 $0x1EB200, s0;
	s3 =	sor.u32 s1, s3;
	_ =	strace $0x8000004D  }
0x9: {  	s14 =	smul.u32 $0x186A00, s4;
	s4 =	sadd.s32 $0x2A00, s0;
	s1 =	ssub.s32 $0x2, s1  }
0xa: {  	s6 =	smul.u32 $0x186A, s3;
	s3 =	sadd.s32 $0xC6000, s0;
	s31 =	sshrl.u32 s1, $0x1  }
0xb: {  	s8 =	sshrl.u32 s14, $0x3;
	s1 =	ssub.s32 s1, s31;
	s13 =	sadd.s32 $0x1F40, s14  }
0xc: {  	s14 =	sadd.s32 $0x2EE0, s14;
	s0 =	sadd.s32 s6, s0;
	s6 =	sadd.s32 s3, s8  }
0xd: {  	s11 =	sadd.s32 $0x1F4, s8;
	s7 =	sadd.s32 s4, s8;
	s8 =	sadd.s32 s5, s8  }
0xe: {  	s16 =	smax.u32 s1, $0x1;
	s9 =	sadd.s32 s3, s11;
	s10 =	sadd.s32 s4, s11  }
0xf: {  	v0 =	vimm.f32 $0.0e+00;
	s11 =	sadd.s32 s5, s11;
	s12 =	sadd.s32 $0x189600, s0;
	s15 =	sadd.s32 $0x2AE800, s0  }
.LBB2_1:
0x10: {  	s0 =	simm.s32 $0x18700  }
0x11: {  	[tilespmem:s0], [sflag:$0x1] =	stream.linear.gather [hbm4b:s6+s2], $0xFA0, $0x38;
	[tilespmem:$0x1E700] =	vst v63  }
0x12: {  	_ = 	snop  }
0x13: {  	[tilespmem:s18], [sflag:$0x1] =	stream.linear.gather [hbm4b:s7+s2], $0xFA0, $0x38;
	[tilespmem:$0x1E700] =	vst v63  }
0x14: {  	_ = 	snop  }
0x15: {  	[tilespmem:s19], [sflag:$0x1] =	stream.linear.gather [hbm4b:s8+s2], $0xFA0, $0x38;
	[tilespmem:$0x1E700] =	vst v63  }
0x16: {  	_ = 	snop  }
0x17: {  	[tilespmem:s20], [sflag:$0x2] =	stream.linear.gather [hbm4b:s9+s2], $0xFA0, $0x38;
	[tilespmem:$0x1E700] =	vst v63  }
0x18: {  	_ = 	snop  }
0x19: {  	[tilespmem:s21], [sflag:$0x2] =	stream.linear.gather [hbm4b:s10+s2], $0xFA0, $0x38;
	[tilespmem:$0x1E700] =	vst v63  }
0x1a: {  	_ = 	snop  }
0x1b: {  	[tilespmem:s22], [sflag:$0x2] =	stream.linear.gather [hbm4b:s11+s2], $0xFA0, $0x38;
	[tilespmem:$0x1E700] =	vst v63  }
0x1c: {  	_ = 	snop  }
0x1d: {  	[tilespmem:s2], [sflag:$0x3] =	stream.linear.gather [hbm4b:s12+s2], $0xC350, $0x38;
	[tilespmem:$0x1E700] =	vst v63  }
0x1e: {  	_ =	swait.ge [sflag:s23], $0xC350  }
0x1f: {  	[sflag:s23] =	ssyncset.done $0x0  }
0x20: {  	s0 =	simm.s32 $0xC3C0;
	[sflag:s23] =	ssyncadd.s32 $0xFFFF3CB0  }
0x21: {  	[tilespmem:s0+$0xFFFFFFC0] =	vst v0  }
0x22: {  	[tilespmem:s0+$0x30] =	vst v0  }
0x23: {  	[tilespmem:s0+$0x20] =	vst v0  }
0x24: {  	[tilespmem:s0+$0x10] =	vst v0  }
0x25: {  	[tilespmem:s0+$0x0] =	vst v0  }
0x26: {  	[tilespmem:s0+$0xFFFFFFF0] =	vst v0  }
0x27: {  	s1 =	simm.s32 $0x0;
	[tilespmem:s0+$0xFFFFFFE0] =	vst v0  }
.LBB2_2:
0x28: {  	s1 =	sadd.s32 $0x8, s1;
	[tilespmem:s0+$0xFFFFFFD0] =	vst v0;
	s0 =	sadd.s32 $0x80, s0  }
0x29: {  	[tilespmem:s0+$0xFFFFFFC0] =	vst v0;
	p0 =	slt.u32 s1, $0xC28  }
0x2a: {  	[tilespmem:s0+$0x30] =	vst v0  }
.Ltmp0:
0x2b: {  	[tilespmem:s0+$0x20] =	vst v0;
	(pc) =	sbr.rel @p0 .LBB2_2-.Ltmp0, $4  }
0x2c: {  	[tilespmem:s0+$0x10] =	vst v0  }
0x2d: {  	[tilespmem:s0+$0x0] =	vst v0  }
0x2e: {  	[tilespmem:s0+$0xFFFFFFF0] =	vst v0  }
0x2f: {  	[tilespmem:s0+$0xFFFFFFE0] =	vst v0  }
0x30: {  	[tilespmem:s0+$0xFFFFFFD0] =	vst v0;
	s29 =	simm.s32 $0x0;
	s0 =	simm.s32 $0x0  }
.LBB2_4:
0x31: {  	p0 =	sne.s32 s0, $0x100  }
.Ltmp1:
0x32: {  	_ = 	snop;
	(pc) =	sbr.rel @p0 .LBB2_4-.Ltmp1, $3  }
0x33: {  	_ =	sdelay $0x1  }
0x34: {  	s1 =	sshra.s32 s0, $0x2  }
0x35: {  	s0 =	sadd.s32 $0x40, s0;
	[tilespmem:s1+$0x18680] =	vst v0  }
.Ltmp2:
0x36: {  	_ = 	snop;
	(pc) =	sbr.rel .LBB2_5-.Ltmp2, $1  }
0x37: {  	_ =	sdelay $0x3  }
.LBB2_14:
0x38: {  	s0 =	smul.u32 $0x1F40, s29;
	_ =	sdelay $0x1  }
0x39: {  	s0 =	sadd.s32 s0, s14  }
0x3a: {  	s0 =	sshrl.u32 s0, $0x3  }
0x3b: {  	s1 =	sadd.s32 s3, s0  }
0x3c: {  	[tilespmem:s20], [sflag:$0x2] =	stream.linear.gather [hbm4b:s1+s2], $0xFA0, $0x38;
	[tilespmem:$0x1E700] =	vst v63  }
0x3d: {  	s31 =	sadd.s32 s4, s0  }
0x3e: {  	[tilespmem:s21], [sflag:$0x2] =	stream.linear.gather [hbm4b:s31+s2], $0xFA0, $0x38;
	[tilespmem:$0x1E700] =	vst v63  }
0x3f: {  	s29 =	sadd.s32 $0x1, s29;
	s0 =	sadd.s32 s5, s0  }
0x40: {  	[tilespmem:s22], [sflag:$0x2] =	stream.linear.gather [hbm4b:s0+s2], $0xFA0, $0x38;
	[tilespmem:$0x1E700] =	vst v63  }
.LBB2_5:
0x41: {  	_ =	swait.ge [sflag:s24], $0xFA0  }
0x42: {  	[sflag:s24] =	ssyncset.done $0x0  }
0x43: {  	[sflag:s24] =	ssyncadd.s32 $0xFFFFF060  }
0x44: {  	_ =	swait.ge [sflag:s24], $0xFA0  }
0x45: {  	[sflag:s24] =	ssyncset.done $0x0  }
0x46: {  	[sflag:s24] =	ssyncadd.s32 $0xFFFFF060  }
0x47: {  	_ =	swait.ge [sflag:s24], $0xFA0  }
0x48: {  	[sflag:s24] =	ssyncset.done $0x0  }
0x49: {  	s1 =	simm.s32 $0x18740;
	[sflag:s24] =	ssyncadd.s32 $0xFFFFF060  }
0x4a: {  	v1 =	vld [tilespmem:s1+$0x30]  }
0x4b: {  	v2 =	vld [tilespmem:s1+$0xFFFFFFD0]  }
0x4c: {  	v3 =	vld [tilespmem:s1+$0xFFFFFFE0]  }
0x4d: {  	v4 =	vld [tilespmem:s1+$0xFFFFFFF0]  }
0x4e: {  	v5 =	vld [tilespmem:s1+$0x0]  }
0x4f: {  	s31 =	simm.s32 $0x1A740;
	v6 =	vld [tilespmem:s1+$0x10]  }
0x50: {  	s0 =	simm.s32 $0x1C740;
	v7 =	vld [tilespmem:s31+$0x30]  }
0x51: {  	v8 =	vld [tilespmem:s0+$0x30]  }
0x52: {  	v9 =	vld [tilespmem:s1+$0xFFFFFFC0]  }
0x53: {  	v10 =	vld [tilespmem:s1+$0x20]  }
0x54: {  	v57 =	vld [tilespmem:s31+$0xFFFFFFC0]  }
0x55: {  	v58 =	vld [tilespmem:s0+$0xFFFFFFC0]  }
0x56: {  	v59 =	vld [tilespmem:s0+$0xFFFFFFD0]  }
0x57: {  	s30 =	simm.s32 $0x0;
	v11 =	vld [tilespmem:s0+$0xFFFFFFE0]  }
0x58: {  	v1 =	vld.idx.msk [tilespmem:v1+s30+$0x0], $0xffff  }
0x59: {  	v12 =	vld [tilespmem:s31+$0xFFFFFFD0]  }
0x5a: {  	v13 =	vld [tilespmem:s0+$0xFFFFFFF0]  }
0x5b: {  	v14 =	vld [tilespmem:s0+$0x0]  }
0x5c: {  	v60 =	vld [tilespmem:s31+$0xFFFFFFE0]  }
0x5d: {  	v61 =	vld [tilespmem:s31+$0x0];
	v1 =	vmul.f32 v8, v1  }
0x5e: {  	v62 =	vld [tilespmem:s31+$0x10]  }
0x5f: {  	[tilespmem:v7+s25+$0x0] =	vst.idx.add.f32.msk $0xffff, v1  }
0x60: {  	v1 =	vld.idx.msk [tilespmem:v9+s30+$0x0], $0xffff  }
0x61: {  	v63 =	vld [tilespmem:s0+$0x10]  }
0x62: {  	v15 =	vld [tilespmem:s0+$0x20]  }
0x63: {  	v2 =	vld.idx.msk [tilespmem:v2+s30+$0x0], $0xffff  }
0x64: {  	v3 =	vld.idx.msk [tilespmem:v3+s30+$0x0], $0xffff  }
0x65: {  	v5 =	vld.idx.msk [tilespmem:v5+s30+$0x0], $0xffff;
	v1 =	vmul.f32 v58, v1  }
0x66: {  	v6 =	vld.idx.msk [tilespmem:v6+s30+$0x0], $0xffff  }
0x67: {  	[tilespmem:v57+s25+$0x0] =	vst.idx.add.f32.msk $0xffff, v1  }
0x68: {  	v1 =	vld [tilespmem:s31+$0xFFFFFFF0]  }
0x69: {  	v4 =	vld.idx.msk [tilespmem:v4+s30+$0x0], $0xffff;
	v2 =	vmul.f32 v59, v2  }
0x6a: {  	v10 =	vld.idx.msk [tilespmem:v10+s30+$0x0], $0xffff  }
0x6b: {  	v3 =	vmul.f32 v11, v3;
	[tilespmem:v12+s25+$0x0] =	vst.idx.add.f32.msk $0xffff, v2  }
0x6c: {  	v5 =	vmul.f32 v14, v5;
	v2 =	vld [tilespmem:s31+$0x20]  }
0x6d: {  	[tilespmem:v60+s25+$0x0] =	vst.idx.add.f32.msk $0xffff, v3;
	v3 =	vmul.f32 v63, v6  }
0x6e: {  	v4 =	vmul.f32 v13, v4;
	[tilespmem:v61+s25+$0x0] =	vst.idx.add.f32.msk $0xffff, v5  }
0x6f: {  	[tilespmem:v62+s25+$0x0] =	vst.idx.add.f32.msk $0xffff, v3  }
0x70: {  	s17 =	simm.s32 $0x187C0;
	s1 =	simm.s32 $0x0;
	[tilespmem:v1+s25+$0x0] =	vst.idx.add.f32.msk $0xffff, v4;
	v1 =	vmul.f32 v15, v10  }
.LBB2_6:
0x71: {  	v3 =	vld [tilespmem:s17+$0x30];
	s1 =	sadd.s32 $0x8, s1  }
0x72: {  	v4 =	vld [tilespmem:s17+$0xFFFFFFD0];
	p0 =	slt.u32 s1, $0xF0  }
0x73: {  	v5 =	vld [tilespmem:s17+$0xFFFFFFE0]  }
0x74: {  	v6 =	vld [tilespmem:s17+$0xFFFFFFF0]  }
0x75: {  	v7 =	vld [tilespmem:s17+$0x0]  }
0x76: {  	v8 =	vld [tilespmem:s17+$0x10]  }
0x77: {  	s31 =	sadd.s32 $0x80, s31;
	v9 =	vld [tilespmem:s17+$0x20]  }
0x78: {  	v10 =	vld [tilespmem:s31+$0x30]  }
0x79: {  	s0 =	sadd.s32 $0x80, s0;
	v3 =	vld.idx.msk [tilespmem:v3+s30+$0x0], $0xffff  }
0x7a: {  	v11 =	vld [tilespmem:s0+$0x30]  }
0x7b: {  	v12 =	vld [tilespmem:s17+$0xFFFFFFC0]  }
0x7c: {  	v4 =	vld.idx.msk [tilespmem:v4+s30+$0x0], $0xffff  }
0x7d: {  	v5 =	vld.idx.msk [tilespmem:v5+s30+$0x0], $0xffff  }
0x7e: {  	v6 =	vld.idx.msk [tilespmem:v6+s30+$0x0], $0xffff  }
0x7f: {  	v7 =	vld.idx.msk [tilespmem:v7+s30+$0x0], $0xffff;
	v3 =	vmul.f32 v11, v3  }
0x80: {  	v8 =	vld.idx.msk [tilespmem:v8+s30+$0x0], $0xffff  }
0x81: {  	[tilespmem:v10+s25+$0x0] =	vst.idx.add.f32.msk $0xffff, v3  }
0x82: {  	v3 =	vld.idx.msk [tilespmem:v9+s30+$0x0], $0xffff  }
0x83: {  	v9 =	vld.idx.msk [tilespmem:v12+s30+$0x0], $0xffff  }
0x84: {  	v10 =	vld [tilespmem:s0+$0xFFFFFFC0]  }
0x85: {  	v11 =	vld [tilespmem:s0+$0xFFFFFFD0]  }
0x86: {  	v12 =	vld [tilespmem:s0+$0xFFFFFFE0]  }
0x87: {  	v13 =	vld [tilespmem:s0+$0xFFFFFFF0]  }
0x88: {  	v14 =	vld [tilespmem:s0+$0x0]  }
0x89: {  	v9 =	vmul.f32 v10, v9;
	v10 =	vld [tilespmem:s0+$0x10]  }
0x8a: {  	v4 =	vmul.f32 v11, v4;
	v11 =	vld [tilespmem:s0+$0x20]  }
0x8b: {  	v15 =	vld [tilespmem:s31+$0xFFFFFFC0];
	v5 =	vmul.f32 v12, v5  }
0x8c: {  	v12 =	vld [tilespmem:s31+$0xFFFFFFD0];
	v6 =	vmul.f32 v13, v6  }
0x8d: {  	v13 =	vld [tilespmem:s31+$0xFFFFFFE0];
	v7 =	vmul.f32 v14, v7  }
0x8e: {  	v14 =	vld [tilespmem:s31+$0xFFFFFFF0];
	v8 =	vmul.f32 v10, v8  }
0x8f: {  	v10 =	vld [tilespmem:s31+$0x0];
	v3 =	vmul.f32 v11, v3  }
0x90: {  	v11 =	vld [tilespmem:s31+$0x10]  }
0x91: {  	v16 =	vld [tilespmem:s31+$0x20]  }
0x92: {  	[tilespmem:v2+s25+$0x0] =	vst.idx.add.f32.msk $0xffff, v1;
	v1 =	vmov v3  }
0x93: {  	[tilespmem:v15+s25+$0x0] =	vst.idx.add.f32.msk $0xffff, v9  }
.Ltmp3:
0x94: {  	[tilespmem:v12+s25+$0x0] =	vst.idx.add.f32.msk $0xffff, v4;
	(pc) =	sbr.rel @p0 .LBB2_6-.Ltmp3, $4  }
0x95: {  	[tilespmem:v13+s25+$0x0] =	vst.idx.add.f32.msk $0xffff, v5  }
0x96: {  	[tilespmem:v14+s25+$0x0] =	vst.idx.add.f32.msk $0xffff, v6;
	v2 =	vmov v16  }
0x97: {  	[tilespmem:v10+s25+$0x0] =	vst.idx.add.f32.msk $0xffff, v7  }
0x98: {  	s17 =	sadd.s32 $0x80, s17;
	[tilespmem:v11+s25+$0x0] =	vst.idx.add.f32.msk $0xffff, v8  }
0x99: {  	_ =	sdelay $0x3  }
0x9a: {  	[tilespmem:v2+s25+$0x0] =	vst.idx.add.f32.msk $0xffff, v1  }
.LBB2_8:
0x9b: {  	s0 =	sshra.s32 s30, $0x2  }
0x9c: {  	v1 =	vld [tilespmem:s0+$0x19680];
	_ =	sdelay $0x5  }
0x9d: {  	v2 =	vld [tilespmem:s0+$0x1B680]  }
0x9e: {  	v3 =	vld [tilespmem:s0+$0x1D680]  }
0x9f: {  	v1 =	vld.idx.msk [tilespmem:v1+s2+$0x0], $0xffff;
	_ =	sdelay $0x1  }
0xa0: {  	p0 =	sne.s32 s30, $0x40  }
.Ltmp4:
0xa1: {  	_ = 	snop;
	(pc) =	sbr.rel @p0 .LBB2_8-.Ltmp4, $3  }
0xa2: {  	_ = 	snop  }
0xa3: {  	v1 =	vmul.f32 v3, v1;
	_ =	sdelay $0x1  }
0xa4: {  	s30 =	sadd.s32 $0x40, s30;
	[tilespmem:v2+s25+$0x0] =	vst.idx.add.f32.msk $0xffff, v1  }
0xa5: {  	p0 =	seq.s32 s29, $0xC7  }
0xa6: {  	s0 =	smul.u32 @!p0 $0x1F40, s29;
	_ =	sdelay $0x1  }
0xa7: {  	s0 =	sadd.s32 @!p0 s0, s13  }
0xa8: {  	s0 =	sshrl.u32 @!p0 s0, $0x3  }
0xa9: {  	s17 =	simm.s32 @!p0 $0x0;
	s30 =	simm.s32 @!p0 $0x18700;
	s1 =	sadd.s32 @!p0 s3, s0  }
0xaa: {  	[tilespmem:s30], [sflag:$0x1] =	stream.linear.gather @!p0 [hbm4b:s1+s17], $0xFA0, $0x38;
	[tilespmem:$0x1E700] =	vst v63  }
0xab: {  	s1 =	sadd.s32 @!p0 s4, s0;
	s30 =	simm.s32 @!p0 $0x1A700  }
0xac: {  	[tilespmem:s30], [sflag:$0x1] =	stream.linear.gather @!p0 [hbm4b:s1+s17], $0xFA0, $0x38;
	[tilespmem:$0x1E700] =	vst v63  }
0xad: {  	s0 =	sadd.s32 @!p0 s5, s0;
	s1 =	simm.s32 @!p0 $0x1C700  }
0xae: {  	[tilespmem:s1], [sflag:$0x1] =	stream.linear.gather @!p0 [hbm4b:s0+s17], $0xFA0, $0x38;
	[tilespmem:$0x1E700] =	vst v63  }
0xaf: {  	_ =	swait.ge [sflag:s26], $0xFA0  }
0xb0: {  	[sflag:s26] =	ssyncset.done $0x0  }
0xb1: {  	[sflag:s26] =	ssyncadd.s32 $0xFFFFF060  }
0xb2: {  	_ =	swait.ge [sflag:s26], $0xFA0  }
0xb3: {  	[sflag:s26] =	ssyncset.done $0x0  }
0xb4: {  	[sflag:s26] =	ssyncadd.s32 $0xFFFFF060  }
0xb5: {  	_ =	swait.ge [sflag:s26], $0xFA0  }
0xb6: {  	[sflag:s26] =	ssyncset.done $0x0  }
0xb7: {  	s17 =	simm.s32 $0x19740;
	[sflag:s26] =	ssyncadd.s32 $0xFFFFF060  }
0xb8: {  	v1 =	vld [tilespmem:s17+$0x30]  }
0xb9: {  	v2 =	vld [tilespmem:s17+$0xFFFFFFD0]  }
0xba: {  	v3 =	vld [tilespmem:s17+$0xFFFFFFE0]  }
0xbb: {  	v4 =	vld [tilespmem:s17+$0xFFFFFFF0]  }
0xbc: {  	v5 =	vld [tilespmem:s17+$0x0]  }
0xbd: {  	s31 =	simm.s32 $0x1B740;
	v6 =	vld [tilespmem:s17+$0x10]  }
0xbe: {  	s0 =	simm.s32 $0x1D740;
	v7 =	vld [tilespmem:s31+$0x30]  }
0xbf: {  	v8 =	vld [tilespmem:s0+$0x30]  }
0xc0: {  	v9 =	vld [tilespmem:s17+$0xFFFFFFC0]  }
0xc1: {  	v10 =	vld [tilespmem:s17+$0x20]  }
0xc2: {  	v57 =	vld [tilespmem:s31+$0xFFFFFFC0]  }
0xc3: {  	v58 =	vld [tilespmem:s0+$0xFFFFFFC0]  }
0xc4: {  	v59 =	vld [tilespmem:s0+$0xFFFFFFD0]  }
0xc5: {  	s30 =	simm.s32 $0x0;
	v11 =	vld [tilespmem:s0+$0xFFFFFFE0]  }
0xc6: {  	v1 =	vld.idx.msk [tilespmem:v1+s30+$0x0], $0xffff  }
0xc7: {  	v12 =	vld [tilespmem:s31+$0xFFFFFFD0]  }
0xc8: {  	v13 =	vld [tilespmem:s0+$0xFFFFFFF0]  }
0xc9: {  	v14 =	vld [tilespmem:s0+$0x0]  }
0xca: {  	v60 =	vld [tilespmem:s31+$0xFFFFFFE0]  }
0xcb: {  	v61 =	vld [tilespmem:s31+$0x0];
	v1 =	vmul.f32 v8, v1  }
0xcc: {  	v62 =	vld [tilespmem:s31+$0x10]  }
0xcd: {  	[tilespmem:v7+s25+$0x0] =	vst.idx.add.f32.msk $0xffff, v1  }
0xce: {  	v1 =	vld.idx.msk [tilespmem:v9+s30+$0x0], $0xffff  }
0xcf: {  	v63 =	vld [tilespmem:s0+$0x10]  }
0xd0: {  	v15 =	vld [tilespmem:s0+$0x20]  }
0xd1: {  	v2 =	vld.idx.msk [tilespmem:v2+s30+$0x0], $0xffff  }
0xd2: {  	v3 =	vld.idx.msk [tilespmem:v3+s30+$0x0], $0xffff  }
0xd3: {  	v5 =	vld.idx.msk [tilespmem:v5+s30+$0x0], $0xffff;
	v1 =	vmul.f32 v58, v1  }
0xd4: {  	v6 =	vld.idx.msk [tilespmem:v6+s30+$0x0], $0xffff  }
0xd5: {  	[tilespmem:v57+s25+$0x0] =	vst.idx.add.f32.msk $0xffff, v1  }
0xd6: {  	v1 =	vld [tilespmem:s31+$0xFFFFFFF0]  }
0xd7: {  	v4 =	vld.idx.msk [tilespmem:v4+s30+$0x0], $0xffff;
	v2 =	vmul.f32 v59, v2  }
0xd8: {  	v10 =	vld.idx.msk [tilespmem:v10+s30+$0x0], $0xffff  }
0xd9: {  	v3 =	vmul.f32 v11, v3;
	[tilespmem:v12+s25+$0x0] =	vst.idx.add.f32.msk $0xffff, v2  }
0xda: {  	v5 =	vmul.f32 v14, v5;
	v2 =	vld [tilespmem:s31+$0x20]  }
0xdb: {  	[tilespmem:v60+s25+$0x0] =	vst.idx.add.f32.msk $0xffff, v3;
	v3 =	vmul.f32 v63, v6  }
0xdc: {  	v4 =	vmul.f32 v13, v4;
	[tilespmem:v61+s25+$0x0] =	vst.idx.add.f32.msk $0xffff, v5  }
0xdd: {  	[tilespmem:v62+s25+$0x0] =	vst.idx.add.f32.msk $0xffff, v3  }
0xde: {  	s1 =	simm.s32 $0x0;
	s17 =	simm.s32 $0x197C0;
	[tilespmem:v1+s25+$0x0] =	vst.idx.add.f32.msk $0xffff, v4;
	v1 =	vmul.f32 v15, v10  }
.LBB2_10:
0xdf: {  	v3 =	vld [tilespmem:s17+$0x30];
	s1 =	sadd.s32 $0x8, s1  }
0xe0: {  	v4 =	vld [tilespmem:s17+$0xFFFFFFD0];
	p1 =	slt.u32 s1, $0xF0  }
0xe1: {  	v5 =	vld [tilespmem:s17+$0xFFFFFFE0]  }
0xe2: {  	v6 =	vld [tilespmem:s17+$0xFFFFFFF0]  }
0xe3: {  	v7 =	vld [tilespmem:s17+$0x0]  }
0xe4: {  	v8 =	vld [tilespmem:s17+$0x10]  }
0xe5: {  	s31 =	sadd.s32 $0x80, s31;
	v9 =	vld [tilespmem:s17+$0x20]  }
0xe6: {  	v10 =	vld [tilespmem:s31+$0x30]  }
0xe7: {  	s0 =	sadd.s32 $0x80, s0;
	v3 =	vld.idx.msk [tilespmem:v3+s30+$0x0], $0xffff  }
0xe8: {  	v11 =	vld [tilespmem:s0+$0x30]  }
0xe9: {  	v12 =	vld [tilespmem:s17+$0xFFFFFFC0]  }
0xea: {  	v4 =	vld.idx.msk [tilespmem:v4+s30+$0x0], $0xffff  }
0xeb: {  	v5 =	vld.idx.msk [tilespmem:v5+s30+$0x0], $0xffff  }
0xec: {  	v6 =	vld.idx.msk [tilespmem:v6+s30+$0x0], $0xffff  }
0xed: {  	v7 =	vld.idx.msk [tilespmem:v7+s30+$0x0], $0xffff;
	v3 =	vmul.f32 v11, v3  }
0xee: {  	v8 =	vld.idx.msk [tilespmem:v8+s30+$0x0], $0xffff  }
0xef: {  	[tilespmem:v10+s25+$0x0] =	vst.idx.add.f32.msk $0xffff, v3  }
0xf0: {  	v3 =	vld.idx.msk [tilespmem:v9+s30+$0x0], $0xffff  }
0xf1: {  	v9 =	vld.idx.msk [tilespmem:v12+s30+$0x0], $0xffff  }
0xf2: {  	v10 =	vld [tilespmem:s0+$0xFFFFFFC0]  }
0xf3: {  	v11 =	vld [tilespmem:s0+$0xFFFFFFD0]  }
0xf4: {  	v12 =	vld [tilespmem:s0+$0xFFFFFFE0]  }
0xf5: {  	v13 =	vld [tilespmem:s0+$0xFFFFFFF0]  }
0xf6: {  	v14 =	vld [tilespmem:s0+$0x0]  }
0xf7: {  	v9 =	vmul.f32 v10, v9;
	v10 =	vld [tilespmem:s0+$0x10]  }
0xf8: {  	v4 =	vmul.f32 v11, v4;
	v11 =	vld [tilespmem:s0+$0x20]  }
0xf9: {  	v15 =	vld [tilespmem:s31+$0xFFFFFFC0];
	v5 =	vmul.f32 v12, v5  }
0xfa: {  	v12 =	vld [tilespmem:s31+$0xFFFFFFD0];
	v6 =	vmul.f32 v13, v6  }
0xfb: {  	v13 =	vld [tilespmem:s31+$0xFFFFFFE0];
	v7 =	vmul.f32 v14, v7  }
0xfc: {  	v14 =	vld [tilespmem:s31+$0xFFFFFFF0];
	v8 =	vmul.f32 v10, v8  }
0xfd: {  	v10 =	vld [tilespmem:s31+$0x0];
	v3 =	vmul.f32 v11, v3  }
0xfe: {  	v11 =	vld [tilespmem:s31+$0x10]  }
0xff: {  	v16 =	vld [tilespmem:s31+$0x20]  }
0x100: {  	[tilespmem:v2+s25+$0x0] =	vst.idx.add.f32.msk $0xffff, v1;
	v1 =	vmov v3  }
0x101: {  	[tilespmem:v15+s25+$0x0] =	vst.idx.add.f32.msk $0xffff, v9  }
.Ltmp5:
0x102: {  	[tilespmem:v12+s25+$0x0] =	vst.idx.add.f32.msk $0xffff, v4;
	(pc) =	sbr.rel @p1 .LBB2_10-.Ltmp5, $4  }
0x103: {  	[tilespmem:v13+s25+$0x0] =	vst.idx.add.f32.msk $0xffff, v5  }
0x104: {  	[tilespmem:v14+s25+$0x0] =	vst.idx.add.f32.msk $0xffff, v6;
	v2 =	vmov v16  }
0x105: {  	[tilespmem:v10+s25+$0x0] =	vst.idx.add.f32.msk $0xffff, v7  }
0x106: {  	s17 =	sadd.s32 $0x80, s17;
	[tilespmem:v11+s25+$0x0] =	vst.idx.add.f32.msk $0xffff, v8  }
0x107: {  	_ =	sdelay $0x3  }
0x108: {  	[tilespmem:v2+s25+$0x0] =	vst.idx.add.f32.msk $0xffff, v1  }
.LBB2_12:
0x109: {  	s0 =	sshra.s32 s30, $0x2  }
0x10a: {  	v1 =	vld [tilespmem:s0+$0x1A680];
	_ =	sdelay $0x5  }
0x10b: {  	v2 =	vld [tilespmem:s0+$0x1C680]  }
0x10c: {  	v3 =	vld [tilespmem:s0+$0x1E680]  }
0x10d: {  	v1 =	vld.idx.msk [tilespmem:v1+s2+$0x0], $0xffff;
	_ =	sdelay $0x1  }
0x10e: {  	p1 =	sne.s32 s30, $0x40  }
.Ltmp6:
0x10f: {  	_ = 	snop;
	(pc) =	sbr.rel @p1 .LBB2_12-.Ltmp6, $3  }
0x110: {  	_ = 	snop  }
0x111: {  	v1 =	vmul.f32 v3, v1;
	_ =	sdelay $0x1  }
0x112: {  	s30 =	sadd.s32 $0x40, s30;
	[tilespmem:v2+s25+$0x0] =	vst.idx.add.f32.msk $0xffff, v1  }
.Ltmp7:
0x113: {  	(pc) =	sbr.rel @!p0 .LBB2_14-.Ltmp7, $1  }
0x114: {  	_ =	sdelay $0x3  }
0x115: {  	s28 =	sadd.s32 $0x1, s28  }
0x116: {  	p0 =	sne.s32 s28, s16  }
.Ltmp8:
0x117: {  	_ = 	snop;
	(pc) =	sbr.rel @p0 .LBB2_1-.Ltmp8, $4  }
0x118: {  	[hbm4b:s15+s2] =	stream.linear.scatter [tilespmem:s25], [sflag:$0x3], $0xC350, $0x38;
	[tilespmem:$0x1E700] =	vst v63  }
0x119: {  	_ =	swait.ge [sflag:s23], $0xC350  }
0x11a: {  	[sflag:s23] =	ssyncset.done $0x0  }
0x11b: {  	[sflag:s23] =	ssyncadd.s32 $0xFFFF3CB0  }
0x11c: {  	_ =	sfence.sel $0x180000  }
0x11d: {  	[bflag:$0x0] =	sbarrier.arrive $0xFFFF  }
0x11e: {  	_ =	strace $0x9000004D  }
0x11f: {  	s0 =	stileid.u32;
	[bflag:$0x2] =	sbarrier.arrive $0xFFFF  }
0x120: {  	p0 =	sne.s32 s0, $0x0;
	s0 =	rddreg [dreg:$0x1]  }
0x121: {  	s0 =	sadd.s32 @!p0 $0x100000, s0  }
0x122: {  	[sflag:s0] =	ssyncadd.tile.s32 @!p0 $0x1;
	_ =	shalt  }
.Lfunc_end2:
_tile_overlayer_lowered:
.L_overlay_start_2:
0x123: {  	(tag) =	ssettag $0x2  }
0x124: {  	s0 =	rddreg [dreg:$0x0];
	s2 =	stileid.u32  }
0x125: {  	s1 =	rddreg [dreg:$0x1];
	p0 =	sne.s32 s2, $0x0  }
0x126: {  	s3 =	rddreg [dreg:$0x2];
	[bflag:$0x3] =	sbarrier.arrive $0xFFFF;
	s2 =	simm.s32 @!p0 $0x1C03  }
0x127: {  	[timem:s3], [sflag:s2] =	dma.local @!p0 [hbm:s0], s1  }
0x128: {  	s0 =	simm.s32 @!p0 $0x3  }
0x129: {  	_ =	swait.ge @!p0 [sflag:s0], s1  }
0x12a: {  	s1 =	ssub.s32 @!p0 $0x0, s1;
	[sflag:s0] =	ssyncset.done @!p0 $0x0  }
0x12b: {  	[sflag:s0] =	ssyncadd.s32 @!p0 s1  }
0x12c: {  	[bflag:$0x3] =	sbarrier.arrive $0xFFFF  }
0x12d: {  	_ =	shalt  }

// kernel: kernel.8.cloned.1.call-start
scs
__scs_entry_jumppad:
0x0: {  	(pc) =	sbr.rel $0x88, $3  }
0x1: {  	(tag) =	ssettag $0x0;
	lr =	simm.s32 $0x1  }
0x2: {  	[smem:$0x3F99] =	sst lr;
	_ =	strace $0xD0000000  }
0x3: {  	_ = 	snop  }
0x4: {  	_ = 	snop  }
0x5: {  	_ = 	snop  }
0x6: {  	_ = 	snop  }
0x7: {  	_ = 	snop  }
__scs_overlays_trampoline_lowered:
0x8: {  	[smem:$0x3FA8] =	sst s0  }
0x9: {  	[smem:$0x3FA9] =	sst s1  }
0xa: {  	[smem:$0x3FAA] =	sst s2  }
0xb: {  	[smem:$0x3FAB] =	sst s3  }
0xc: {  	[smem:$0x3FAC] =	sst s4  }
0xd: {  	[smem:$0x3FAD] =	sst s5  }
0xe: {  	[smem:$0x3FAE] =	sst s6  }
0xf: {  	[smem:$0x3FAF] =	sst s7  }
0x10: {  	[smem:$0x3FB0] =	sst s8  }
0x11: {  	[smem:$0x3FB1] =	sst s9;
	s0 =	simm.s32 @!p0 $0x0  }
0x12: {  	s1 =	sld [smem:$0x3F97];
	s0 =	simm.s32 @p0 $0x1  }
0x13: {  	[smem:$0x3FB2] =	sst s0;
	s0 =	simm.s32 @!p1 $0x0  }
0x14: {  	s2 =	sld [smem:$0x3F96];
	s0 =	simm.s32 @p1 $0x1  }
0x15: {  	[smem:$0x3FB3] =	sst s0;
	s0 =	simm.s32 @!p2 $0x0  }
0x16: {  	s3 =	sld [smem:$0x3FDB];
	s0 =	simm.s32 @p2 $0x1  }
0x17: {  	s4 =	simm.s32 $0x1BF5;
	[smem:$0x3FB5] =	sst s0  }
0x18: {  	s0 =	sld [smem:$0x3F98];
	_ =	swait.ge [sflag:s4], $0x0  }
0x19: {  	s7 =	sld [smem:$0x3F99]  }
0x1a: {  	s8 =	sadd.s32 $0xFFFFE003, lr  }
0x1b: {  	s9 =	sadd.s32 $0xFFFFFEF7, lr;
	s5 =	simm.s32 $0xFFFFFFFF;
	p2 =	slt.u32 s8, $0xFFFFF086  }
0x1c: {  	p1 =	slt.u32 s9, $0xF7A;
	s5 =	simm.s32 @!p2 $0x0  }
0x1d: {  	s5 =	simm.s32 @p1 $0x1;
	p0 =	seq.s32 s7, s2  }
0x1e: {  	s7 =	smul.u32 @!p0 $0xF7A, s2;
	p2 =	seq.s32 @!p0 s5, $0x0  }
0x1f: {  	s9 =	smul.u32 $0xF7A, s1;
	s8 =	simm.s32 @!p0 $0x1BF5;
	p2 =	por !p2, p0  }
0x20: {  	[sflag:s8] =	ssyncset.s32 @!p0 $0xFFFFF086;
	s6 =	sadd.s32 @!p0 s3, s7;
	s7 =	simm.s32 @!p0 $0x108  }
0x21: {  	s3 =	sadd.s32 s3, s9;
	s6 =	sadd.s32 @!p0 $0x88, s6;
	s7 =	simm.s32 @p2 $0x1082  }
0x22: {  	[simem:s7], [sflag:s8] =	dma.local @!p0 [hbm:s6], $0xF7A  }
0x23: {  	s9 =	sor.u32 $0xD0000000, s2;
	s6 =	simm.s32 $0x108;
	_ =	swait.ge @!p0 [sflag:s8], $0x0  }
0x24: {  	s3 =	sadd.s32 $0x88, s3;
	s6 =	simm.s32 @!p1 $0x1082;
	[sflag:s4] =	ssyncset.s32 $0xFFFFF086  }
0x25: {  	[simem:s6], [sflag:s4] =	dma.local [hbm:s3], $0xF7A  }
0x26: {  	[smem:$0x3F99] =	sst s1;
	(tag) =	ssettag s2;
	_ =	strace s9  }
0x27: {  	s1 =	sld [smem:$0x3FA9]  }
0x28: {  	s2 =	sld [smem:$0x3FAA]  }
0x29: {  	s4 =	sld [smem:$0x3FAC]  }
0x2a: {  	p0 =	seq.s32 s5, $0x0;
	s5 =	sld [smem:$0x3FAD]  }
0x2b: {  	s6 =	sld [smem:$0x3FAE]  }
0x2c: {  	s7 =	sld [smem:$0x3FAF]  }
0x2d: {  	s3 =	simm.s32 $0x108;
	s8 =	sld [smem:$0x3FB0]  }
0x2e: {  	s3 =	simm.s32 @!p0 $0x1082;
	s9 =	sld [smem:$0x3FB1]  }
0x2f: {  	lr =	sadd.s32 s0, s3;
	s0 =	sld [smem:$0x3FA8]  }
0x30: {  	s3 =	sld [smem:$0x3FAB]  }
0x31: {  	[smem:$0x3FB4] =	sst s10  }
0x32: {  	s10 =	sld [smem:$0x3FB2];
	_ =	sdelay $0x3  }
0x33: {  	p0 =	seq.s32 s10, $0x1;
	s10 =	sld [smem:$0x3FB4];
	_ =	sdelay $0x3  }
0x34: {  	[smem:$0x3FB4] =	sst s10  }
0x35: {  	s10 =	sld [smem:$0x3FB3];
	_ =	sdelay $0x3  }
0x36: {  	p1 =	seq.s32 s10, $0x1;
	s10 =	sld [smem:$0x3FB4];
	_ =	sdelay $0x3  }
0x37: {  	[smem:$0x3FB4] =	sst s10  }
0x38: {  	s10 =	sld [smem:$0x3FB5]  }
0x39: {  	_ = 	snop;
	(pc) =	sbr.ind lr, $3  }
0x3a: {  	_ = 	snop  }
0x3b: {  	_ = 	snop  }
0x3c: {  	p2 =	seq.s32 s10, $0x1;
	s10 =	sld [smem:$0x3FB4]  }
0x3d: {  	_ =	shalt  }
0x3e: {  	_ =	shalt  }
0x3f: {  	_ =	shalt  }
0x40: {  	_ =	shalt  }
0x41: {  	_ =	shalt  }
0x42: {  	_ =	shalt  }
0x43: {  	_ =	shalt  }
0x44: {  	_ =	shalt  }
0x45: {  	_ =	shalt  }
0x46: {  	_ =	shalt  }
0x47: {  	_ =	shalt  }
0x48: {  	_ =	shalt  }
0x49: {  	_ =	shalt  }
0x4a: {  	_ =	shalt  }
0x4b: {  	_ =	shalt  }
0x4c: {  	_ =	shalt  }
0x4d: {  	_ =	shalt  }
0x4e: {  	_ =	shalt  }
0x4f: {  	_ =	shalt  }
0x50: {  	_ =	shalt  }
0x51: {  	_ =	shalt  }
0x52: {  	_ =	shalt  }
0x53: {  	_ =	shalt  }
0x54: {  	_ =	shalt  }
0x55: {  	_ =	shalt  }
0x56: {  	_ =	shalt  }
0x57: {  	_ =	shalt  }
0x58: {  	_ =	shalt  }
0x59: {  	_ =	shalt  }
0x5a: {  	_ =	shalt  }
0x5b: {  	_ =	shalt  }
0x5c: {  	_ =	shalt  }
0x5d: {  	_ =	shalt  }
0x5e: {  	_ =	shalt  }
0x5f: {  	_ =	shalt  }
0x60: {  	_ =	shalt  }
0x61: {  	_ =	shalt  }
0x62: {  	_ =	shalt  }
0x63: {  	_ =	shalt  }
0x64: {  	_ =	shalt  }
0x65: {  	_ =	shalt  }
0x66: {  	_ =	shalt  }
0x67: {  	_ =	shalt  }
0x68: {  	_ =	shalt  }
0x69: {  	_ =	shalt  }
0x6a: {  	_ =	shalt  }
0x6b: {  	_ =	shalt  }
0x6c: {  	_ =	shalt  }
0x6d: {  	_ =	shalt  }
0x6e: {  	_ =	shalt  }
0x6f: {  	_ =	shalt  }
0x70: {  	_ =	shalt  }
0x71: {  	_ =	shalt  }
0x72: {  	_ =	shalt  }
0x73: {  	_ =	shalt  }
0x74: {  	_ =	shalt  }
0x75: {  	_ =	shalt  }
0x76: {  	_ =	shalt  }
0x77: {  	_ =	shalt  }
0x78: {  	_ =	shalt  }
0x79: {  	_ =	shalt  }
0x7a: {  	_ =	shalt  }
0x7b: {  	_ =	shalt  }
0x7c: {  	_ =	shalt  }
0x7d: {  	_ =	shalt  }
0x7e: {  	_ =	shalt  }
0x7f: {  	_ =	shalt  }
0x80: {  	_ =	shalt  }
0x81: {  	_ =	shalt  }
0x82: {  	_ =	shalt  }
0x83: {  	_ =	shalt  }
0x84: {  	_ =	shalt  }
0x85: {  	_ =	shalt  }
0x86: {  	_ =	shalt  }
0x87: {  	_ =	shalt  }
.Lfunc_end0:
.L_simem_size_0:
called_computation_lowered:
.L_overlay_start_0:
0x88: {  	s2 =	sld [smem:$0x3FD9]  }
0x89: {  	s3 =	sld [smem:$0x3FFE];
	_ =	sdelay $0x1  }
0x8a: {  	s1 =	srdreg.scid  }
0x8b: {  	s0 =	sand.u32 $0x1, s1  }
0x8c: {  	s16 =	sshll.u32 s0, $0xA;
	s2 =	sadd.s32 s3, s2  }
0x8d: {  	s2 =	sadd.s32 s2, s16  }
0x8e: {  	[smem:$0x3FC0] =	sst s2  }
0x8f: {  	_ = 	snop  }
0x90: {  	(tm) =	ssettm $0x1  }
0x91: {  	s17 =	sld [smem:$0x3FFB];
	_ =	sdelay $0x3  }
0x92: {  	_ =	strace s17  }
0x93: {  	s2 =	sld [smem:$0x3FFC];
	_ =	sdelay $0x3  }
0x94: {  	_ =	strace s2  }
0x95: {  	s2 =	sld [smem:$0x3FFD];
	_ =	sdelay $0x3  }
0x96: {  	_ =	strace s2  }
0x97: {  	_ =	strace $0x8FFFFFFF  }
0x98: {  	s18 =	sld [smem:$0x3FDB];
	_ =	sdelay $0x1  }
0x99: {  	s19 =	simm.s32 $_scs_section_size  }
0x9a: {  	s4 =	simm.s32 $_size__tile_overlayer_lowered;
	s5 =	simm.s32 $_tile_overlayer_lowered  }
0x9b: {  	s22 =	simm.s32 $0x1BFF;
	s21 =	sshll.u32 s5, $0x1;
	s2 =	sadd.s32 s19, s18  }
0x9c: {  	s6 =	simm.s32 $0x0;
	s20 =	sshll.u32 s4, $0x1;
	s4 =	sadd.s32 s21, s2  }
0x9d: {  	[timem:s6], [sflag:s22] =	dma.local [hbm:s4], s20  }
0x9e: {  	_ =	swait.ge [sflag:s22], s20  }
0x9f: {  	s3 =	ssub.s32 $0x0, s20;
	[sflag:s22] =	ssyncset.done $0x0  }
0xa0: {  	[sflag:s22] =	ssyncadd.s32 s3;
	_ =	sdelay $0x1  }
0xa1: {  	s23 =	simm.s32 $0x1B8B  }
0xa2: {  	_ =	swait.ge [sflag:s23], $0x1  }
0xa3: {  	[sflag:s23] =	ssyncset.done $0x0  }
0xa4: {  	s25 =	simm.s32 $0x1B8E;
	s24 =	sld [smem:$0x3FFE];
	[sflag:s23] =	ssyncadd.s32 $0xFFFFFFFF  }
0xa5: {  	s26 =	simm.s32 $execute0_lowered;
	[smem:$0x3FD2] =	sst s25  }
0xa6: {  	s4 =	sshll.u32 s26, $0x1;
	_ =	strace $0x80000046;
	[dreg:$0x1] =	wrdreg $0xFFFFFFFF  }
0xa7: {  	s28 =	simm.s32 $_size_execute0_lowered;
	s2 =	sadd.s32 s2, s4;
	[dreg:$0x0] =	wrdreg $0x0  }
0xa8: {  	s4 =	sshll.u32 s28, $0x1;
	[dreg:$0x2] =	wrdreg s2  }
0xa9: {  	[dreg:$0x3] =	wrdreg s4  }
0xaa: {  	[dreg:$0x4] =	wrdreg $0xC0  }
0xab: {  	_ =	task [dreg:s6], $0x5FFFF  }
0xac: {  	[dreg:$0x1] =	wrdreg $0xFFFFFFFF  }
0xad: {  	[dreg:$0x0] =	wrdreg $0x60  }
0xae: {  	[dreg:$0x2] =	wrdreg s24  }
0xaf: {  	[dreg:$0x3] =	wrdreg $0x9  }
0xb0: {  	_ =	task.clear_ibuf [dreg:s6], $0x4FFFF;
	_ =	strace $0x90000046  }
0xb1: {  	s29 =	simm.s32 $0x9;
	_ =	strace $0x80000048  }
0xb2: {  	_ =	swait.ge [sflag:s29], $0x1  }
0xb3: {  	[sflag:s29] =	ssyncadd.s32 $0xFFFFFFFF  }
0xb4: {  	_ =	strace $0x90000048  }
0xb5: {  	_ =	sfence  }
0xb6: {  	s30 =	sld [smem:$0x0];
	_ =	sdelay $0x2  }
0xb7: {  	s31 =	sshll.u32 s1, $0xD;
	s1 =	sshrl.u32 s1, $0x2  }
0xb8: {  	s3 =	sand.u32 $0x4000, s31;
	s1 =	sadd.s32 s1, s30  }
0xb9: {  	s0 =	sor.u32 s3, s0;
	s1 =	sshll.u32 s1, $0x11  }
0xba: {  	s0 =	sor.u32 s1, s0  }
0xbb: {  	s0 =	sadd.s32 $0x8F2B, s0  }
0xbc: {  	[sflag:s0] =	ssyncadd.remote.s32 $0x1  }
0xbd: {  	_ =	sfence.sel $0xFFFF  }
0xbe: {  	[dreg:$0x0] =	wrdreg $0xFFFFFFFF;
	(pc) =	sbr.abs _section_cstart, $3  }
0xbf: {  	[dreg:$0x1] =	wrdreg $0xFFFFFFFF  }
0xc0: {  	_ =	task.clear_ibuf [dreg:s6], $0x2FFFF;
	_ =	strace $0x9FFFFFFF  }
0xc1: {  	(tm) =	ssettm $0x7FFFFFFF  }
tec
execute0_lowered:
.L_overlay_start_1:
0x0: {  	(tag) =	ssettag $0x1  }
0x1: {  	s1 =	srdreg.scid  }
0x2: {  	s0 =	stileid.u32;
	s5 =	rddreg [dreg:$0x0]  }
0x3: {  	s14 =	simm.s32 $0x18700;
	s15 =	simm.s32 $0x1A700;
	s16 =	simm.s32 $0x19700  }
0x4: {  	s17 =	simm.s32 $0x1B700;
	s18 =	simm.s32 $0x1;
	s19 =	simm.s32 $0xC380  }
0x5: {  	s20 =	simm.s32 $0x2;
	s21 =	simm.s32 $0x3;
	s22 =	simm.s32 $0x0  }
0x6: {  	s4 =	sand.u32 $0x1, s1;
	s2 =	sshll.u32 s0, $0x1;
	s1 =	rddreg [dreg:$0x1]  }
0x7: {  	s3 =	sshrl.u32 s0, $0x2;
	s6 =	sor.u32 s4, s2;
	s2 =	simm.s32 $0x0  }
0x8: {  	s8 =	smul.u32 $0x186A00, s3;
	s3 =	sadd.s32 $0xC6000, s5;
	s9 =	ssub.s32 $0x2, s4  }
0x9: {  	s4 =	sadd.s32 $0x2A00, s5;
	s7 =	sand.u32 $0x7, s6;
	s6 =	smul.u32 $0x186A, s6  }
0xa: {  	[smem:$0x7FF] =	sst s2;
	s30 =	sshrl.u32 s9, $0x1;
	s7 =	smul.u32 $0x30D40, s7  }
0xb: {  	_ =	strace $0x80000047;
	s13 =	ssub.s32 s9, s30;
	s12 =	sadd.s32 s6, s5  }
0xc: {  	s13 =	smax.u32 s13, $0x1;
	s10 =	sadd.s32 s8, s7;
	s11 =	sadd.s32 $0x189600, s12  }
0xd: {  	s12 =	sadd.s32 $0x1BA400, s12;
	s8 =	sshrl.u32 s10, $0x3;
	s9 =	sadd.s32 $0x1F40, s10  }
0xe: {  	s10 =	sadd.s32 $0x2EE0, s10;
	s31 =	sadd.s32 $0x1F4, s8;
	s5 =	sadd.s32 s3, s8  }
0xf: {  	v0 =	vimm.f32 $0.0e+00;
	v1 =	vimm.f32 $1.000000000e+00;
	s6 =	sadd.s32 s4, s8;
	s7 =	sadd.s32 s3, s31;
	s8 =	sadd.s32 s4, s31  }
.LBB2_1:
0x10: {  	[tilespmem:s14], [sflag:$0x1] =	stream.linear.gather [hbm4b:s5+s2], $0xFA0, $0x38;
	[tilespmem:$0x1C700] =	vst v63  }
0x11: {  	_ = 	snop  }
0x12: {  	[tilespmem:s15], [sflag:$0x1] =	stream.linear.gather [hbm4b:s6+s2], $0xFA0, $0x38;
	[tilespmem:$0x1C700] =	vst v63  }
0x13: {  	_ = 	snop  }
0x14: {  	[tilespmem:s16], [sflag:$0x2] =	stream.linear.gather [hbm4b:s7+s2], $0xFA0, $0x38;
	[tilespmem:$0x1C700] =	vst v63  }
0x15: {  	s23 =	simm.s32 $0x40  }
0x16: {  	[tilespmem:s17], [sflag:$0x2] =	stream.linear.gather [hbm4b:s8+s2], $0xFA0, $0x38;
	[tilespmem:$0x1C700] =	vst v63  }
0x17: {  	[tilespmem:s23+$0xFFFFFFC0] =	vst v0  }
0x18: {  	[tilespmem:s23+$0x30] =	vst v0  }
0x19: {  	[tilespmem:s23+$0x20] =	vst v0  }
0x1a: {  	[tilespmem:s23+$0x10] =	vst v0  }
0x1b: {  	[tilespmem:s23+$0x0] =	vst v0  }
0x1c: {  	[tilespmem:s23+$0xFFFFFFF0] =	vst v0  }
0x1d: {  	s24 =	simm.s32 $0x0;
	[tilespmem:s23+$0xFFFFFFE0] =	vst v0  }
.LBB2_2:
0x1e: {  	s24 =	sadd.s32 $0x8, s24;
	[tilespmem:s23+$0xFFFFFFD0] =	vst v0;
	s23 =	sadd.s32 $0x80, s23  }
0x1f: {  	[tilespmem:s23+$0xFFFFFFC0] =	vst v0;
	p0 =	slt.u32 s24, $0xC28  }
0x20: {  	[tilespmem:s23+$0x30] =	vst v0  }
.Ltmp0:
0x21: {  	[tilespmem:s23+$0x20] =	vst v0;
	(pc) =	sbr.rel @p0 .LBB2_2-.Ltmp0, $4  }
0x22: {  	[tilespmem:s23+$0x10] =	vst v0  }
0x23: {  	[tilespmem:s23+$0x0] =	vst v0  }
0x24: {  	[tilespmem:s23+$0xFFFFFFF0] =	vst v0  }
0x25: {  	[tilespmem:s23+$0xFFFFFFE0] =	vst v0  }
0x26: {  	[tilespmem:s23+$0xFFFFFFD0] =	vst v0;
	s23 =	simm.s32 $0x0  }
.LBB2_4:
0x27: {  	p0 =	sne.s32 s23, $0x100  }
.Ltmp1:
0x28: {  	_ = 	snop;
	(pc) =	sbr.rel @p0 .LBB2_4-.Ltmp1, $3  }
0x29: {  	_ =	sdelay $0x1  }
0x2a: {  	s24 =	sshra.s32 s23, $0x2  }
0x2b: {  	s23 =	sadd.s32 $0x40, s23;
	[tilespmem:s24+$0xC300] =	vst v0  }
0x2c: {  	s23 =	simm.s32 $0xC3C0  }
0x2d: {  	[tilespmem:s23+$0xFFFFFFC0] =	vst v0  }
0x2e: {  	[tilespmem:s23+$0x30] =	vst v0  }
0x2f: {  	[tilespmem:s23+$0x20] =	vst v0  }
0x30: {  	[tilespmem:s23+$0x10] =	vst v0  }
0x31: {  	[tilespmem:s23+$0x0] =	vst v0  }
0x32: {  	[tilespmem:s23+$0xFFFFFFF0] =	vst v0  }
0x33: {  	s24 =	simm.s32 $0x0;
	[tilespmem:s23+$0xFFFFFFE0] =	vst v0  }
.LBB2_6:
0x34: {  	s24 =	sadd.s32 $0x8, s24;
	[tilespmem:s23+$0xFFFFFFD0] =	vst v0;
	s23 =	sadd.s32 $0x80, s23  }
0x35: {  	[tilespmem:s23+$0xFFFFFFC0] =	vst v0;
	p0 =	slt.u32 s24, $0xC28  }
0x36: {  	[tilespmem:s23+$0x30] =	vst v0  }
.Ltmp2:
0x37: {  	[tilespmem:s23+$0x20] =	vst v0;
	(pc) =	sbr.rel @p0 .LBB2_6-.Ltmp2, $4  }
0x38: {  	[tilespmem:s23+$0x10] =	vst v0  }
0x39: {  	[tilespmem:s23+$0x0] =	vst v0  }
0x3a: {  	[tilespmem:s23+$0xFFFFFFF0] =	vst v0  }
0x3b: {  	[tilespmem:s23+$0xFFFFFFE0] =	vst v0  }
0x3c: {  	[tilespmem:s23+$0xFFFFFFD0] =	vst v0;
	s23 =	simm.s32 $0x0;
	s24 =	simm.s32 $0x0  }
.LBB2_8:
0x3d: {  	p0 =	sne.s32 s24, $0x100  }
.Ltmp3:
0x3e: {  	_ = 	snop;
	(pc) =	sbr.rel @p0 .LBB2_8-.Ltmp3, $3  }
0x3f: {  	_ =	sdelay $0x1  }
0x40: {  	s25 =	sshra.s32 s24, $0x2  }
0x41: {  	s24 =	sadd.s32 $0x40, s24;
	[tilespmem:s25+$0x18680] =	vst v0  }
.Ltmp4:
0x42: {  	_ = 	snop;
	(pc) =	sbr.rel .LBB2_9-.Ltmp4, $1  }
0x43: {  	_ =	sdelay $0x3  }
.LBB2_18:
0x44: {  	s24 =	smul.u32 $0x1F40, s23;
	_ =	sdelay $0x1  }
0x45: {  	s24 =	sadd.s32 s24, s10  }
0x46: {  	s24 =	sshrl.u32 s24, $0x3  }
0x47: {  	s25 =	sadd.s32 s3, s24  }
0x48: {  	[tilespmem:s16], [sflag:$0x2] =	stream.linear.gather [hbm4b:s25+s2], $0xFA0, $0x38;
	[tilespmem:$0x1C700] =	vst v63  }
0x49: {  	s23 =	sadd.s32 $0x1, s23;
	s24 =	sadd.s32 s4, s24  }
0x4a: {  	[tilespmem:s17], [sflag:$0x2] =	stream.linear.gather [hbm4b:s24+s2], $0xFA0, $0x38;
	[tilespmem:$0x1C700] =	vst v63  }
.LBB2_9:
0x4b: {  	_ =	swait.ge [sflag:s18], $0xFA0  }
0x4c: {  	[sflag:s18] =	ssyncset.done $0x0  }
0x4d: {  	[sflag:s18] =	ssyncadd.s32 $0xFFFFF060  }
0x4e: {  	_ =	swait.ge [sflag:s18], $0xFA0  }
0x4f: {  	[sflag:s18] =	ssyncset.done $0x0  }
0x50: {  	s24 =	simm.s32 $0x18740;
	[sflag:s18] =	ssyncadd.s32 $0xFFFFF060  }
0x51: {  	v2 =	vld [tilespmem:s24+$0x30]  }
0x52: {  	v3 =	vld [tilespmem:s24+$0xFFFFFFD0]  }
0x53: {  	v4 =	vld [tilespmem:s24+$0xFFFFFFE0]  }
0x54: {  	v5 =	vld [tilespmem:s24+$0xFFFFFFF0]  }
0x55: {  	v6 =	vld [tilespmem:s24+$0x0]  }
0x56: {  	v7 =	vld [tilespmem:s24+$0x10]  }
0x57: {  	v9 =	vld [tilespmem:s24+$0xFFFFFFC0]  }
0x58: {  	v8 =	vld [tilespmem:s24+$0x20];
	s24 =	simm.s32 $0x0  }
0x59: {  	[tilespmem:v2+s24+$0x0] =	vst.idx.add.f32.msk $0xffff, v1  }
0x5a: {  	[tilespmem:v3+s24+$0x0] =	vst.idx.add.f32.msk $0xffff, v1  }
0x5b: {  	[tilespmem:v4+s24+$0x0] =	vst.idx.add.f32.msk $0xffff, v1  }
0x5c: {  	[tilespmem:v5+s24+$0x0] =	vst.idx.add.f32.msk $0xffff, v1  }
0x5d: {  	[tilespmem:v6+s24+$0x0] =	vst.idx.add.f32.msk $0xffff, v1  }
0x5e: {  	[tilespmem:v7+s24+$0x0] =	vst.idx.add.f32.msk $0xffff, v1  }
0x5f: {  	s25 =	simm.s32 $0x1A740;
	[tilespmem:v9+s24+$0x0] =	vst.idx.add.f32.msk $0xffff, v1  }
0x60: {  	v2 =	vld [tilespmem:s25+$0x30]  }
0x61: {  	[tilespmem:v8+s24+$0x0] =	vst.idx.add.f32.msk $0xffff, v1  }
0x62: {  	v3 =	vld [tilespmem:s25+$0xFFFFFFC0]  }
0x63: {  	v59 =	vld [tilespmem:s25+$0xFFFFFFD0]  }
0x64: {  	v60 =	vld [tilespmem:s25+$0xFFFFFFE0]  }
0x65: {  	v61 =	vld [tilespmem:s25+$0xFFFFFFF0]  }
0x66: {  	v62 =	vld [tilespmem:s25+$0x0]  }
0x67: {  	v63 =	vld [tilespmem:s25+$0x10]  }
0x68: {  	[tilespmem:v2+s19+$0x0] =	vst.idx.add.f32.msk $0xffff, v1  }
0x69: {  	v2 =	vld [tilespmem:s25+$0x20]  }
0x6a: {  	[tilespmem:v3+s19+$0x0] =	vst.idx.add.f32.msk $0xffff, v1  }
0x6b: {  	[tilespmem:v59+s19+$0x0] =	vst.idx.add.f32.msk $0xffff, v1  }
0x6c: {  	[tilespmem:v60+s19+$0x0] =	vst.idx.add.f32.msk $0xffff, v1  }
0x6d: {  	[tilespmem:v61+s19+$0x0] =	vst.idx.add.f32.msk $0xffff, v1  }
0x6e: {  	[tilespmem:v62+s19+$0x0] =	vst.idx.add.f32.msk $0xffff, v1  }
0x6f: {  	s26 =	simm.s32 $0x0;
	s28 =	simm.s32 $0x187C0;
	[tilespmem:v63+s19+$0x0] =	vst.idx.add.f32.msk $0xffff, v1  }
.LBB2_10:
0x70: {  	v3 =	vld [tilespmem:s28+$0x30];
	s26 =	sadd.s32 $0x8, s26  }
0x71: {  	v4 =	vld [tilespmem:s28+$0xFFFFFFD0];
	p0 =	slt.u32 s26, $0xF0  }
0x72: {  	v5 =	vld [tilespmem:s28+$0xFFFFFFE0]  }
0x73: {  	v6 =	vld [tilespmem:s28+$0xFFFFFFF0]  }
0x74: {  	v7 =	vld [tilespmem:s28+$0x0]  }
0x75: {  	v8 =	vld [tilespmem:s28+$0x10]  }
0x76: {  	v9 =	vld [tilespmem:s28+$0x20]  }
0x77: {  	v10 =	vld [tilespmem:s28+$0xFFFFFFC0]  }
0x78: {  	s25 =	sadd.s32 $0x80, s25;
	[tilespmem:v3+s24+$0x0] =	vst.idx.add.f32.msk $0xffff, v1  }
0x79: {  	v3 =	vld [tilespmem:s25+$0x30]  }
0x7a: {  	[tilespmem:v4+s24+$0x0] =	vst.idx.add.f32.msk $0xffff, v1  }
0x7b: {  	[tilespmem:v5+s24+$0x0] =	vst.idx.add.f32.msk $0xffff, v1  }
0x7c: {  	[tilespmem:v6+s24+$0x0] =	vst.idx.add.f32.msk $0xffff, v1  }
0x7d: {  	[tilespmem:v7+s24+$0x0] =	vst.idx.add.f32.msk $0xffff, v1  }
0x7e: {  	[tilespmem:v8+s24+$0x0] =	vst.idx.add.f32.msk $0xffff, v1  }
0x7f: {  	[tilespmem:v10+s24+$0x0] =	vst.idx.add.f32.msk $0xffff, v1  }
0x80: {  	[tilespmem:v9+s24+$0x0] =	vst.idx.add.f32.msk $0xffff, v1  }
0x81: {  	[tilespmem:v3+s19+$0x0] =	vst.idx.add.f32.msk $0xffff, v1  }
0x82: {  	v3 =	vld [tilespmem:s25+$0xFFFFFFC0]  }
0x83: {  	v4 =	vld [tilespmem:s25+$0xFFFFFFD0]  }
0x84: {  	v5 =	vld [tilespmem:s25+$0xFFFFFFE0]  }
0x85: {  	v6 =	vld [tilespmem:s25+$0xFFFFFFF0]  }
0x86: {  	v7 =	vld [tilespmem:s25+$0x0]  }
0x87: {  	v8 =	vld [tilespmem:s25+$0x10]  }
0x88: {  	v9 =	vld [tilespmem:s25+$0x20]  }
0x89: {  	[tilespmem:v2+s19+$0x0] =	vst.idx.add.f32.msk $0xffff, v1  }
0x8a: {  	[tilespmem:v3+s19+$0x0] =	vst.idx.add.f32.msk $0xffff, v1  }
.Ltmp5:
0x8b: {  	[tilespmem:v4+s19+$0x0] =	vst.idx.add.f32.msk $0xffff, v1;
	(pc) =	sbr.rel @p0 .LBB2_10-.Ltmp5, $4  }
0x8c: {  	[tilespmem:v5+s19+$0x0] =	vst.idx.add.f32.msk $0xffff, v1  }
0x8d: {  	[tilespmem:v6+s19+$0x0] =	vst.idx.add.f32.msk $0xffff, v1;
	v2 =	vmov v9  }
0x8e: {  	[tilespmem:v7+s19+$0x0] =	vst.idx.add.f32.msk $0xffff, v1  }
0x8f: {  	s28 =	sadd.s32 $0x80, s28;
	[tilespmem:v8+s19+$0x0] =	vst.idx.add.f32.msk $0xffff, v1  }
0x90: {  	_ =	sdelay $0x3  }
0x91: {  	[tilespmem:v2+s19+$0x0] =	vst.idx.add.f32.msk $0xffff, v1  }
.LBB2_12:
0x92: {  	s25 =	sshra.s32 s24, $0x2  }
0x93: {  	v2 =	vld [tilespmem:s25+$0x19680];
	_ =	sdelay $0x7  }
0x94: {  	[tilespmem:v2+s2+$0x0] =	vst.idx.add.f32.msk $0xffff, v1  }
0x95: {  	v2 =	vld [tilespmem:s25+$0x1B680];
	_ =	sdelay $0x2  }
0x96: {  	p0 =	sne.s32 s24, $0x40  }
.Ltmp6:
0x97: {  	_ = 	snop;
	(pc) =	sbr.rel @p0 .LBB2_12-.Ltmp6, $2  }
0x98: {  	_ =	sdelay $0x2  }
0x99: {  	s24 =	sadd.s32 $0x40, s24;
	[tilespmem:v2+s19+$0x0] =	vst.idx.add.f32.msk $0xffff, v1  }
0x9a: {  	p0 =	seq.s32 s23, $0x18  }
0x9b: {  	s24 =	smul.u32 @!p0 $0x1F40, s23;
	_ =	sdelay $0x1  }
0x9c: {  	s24 =	sadd.s32 @!p0 s24, s9  }
0x9d: {  	s24 =	sshrl.u32 @!p0 s24, $0x3  }
0x9e: {  	s26 =	simm.s32 @!p0 $0x0;
	s28 =	simm.s32 @!p0 $0x18700;
	s25 =	sadd.s32 @!p0 s3, s24  }
0x9f: {  	[tilespmem:s28], [sflag:$0x1] =	stream.linear.gather @!p0 [hbm4b:s25+s26], $0xFA0, $0x38;
	[tilespmem:$0x1C700] =	vst v63  }
0xa0: {  	s24 =	sadd.s32 @!p0 s4, s24;
	s25 =	simm.s32 @!p0 $0x1A700  }
0xa1: {  	[tilespmem:s25], [sflag:$0x1] =	stream.linear.gather @!p0 [hbm4b:s24+s26], $0xFA0, $0x38;
	[tilespmem:$0x1C700] =	vst v63  }
0xa2: {  	_ =	swait.ge [sflag:s20], $0xFA0  }
0xa3: {  	[sflag:s20] =	ssyncset.done $0x0  }
0xa4: {  	[sflag:s20] =	ssyncadd.s32 $0xFFFFF060  }
0xa5: {  	_ =	swait.ge [sflag:s20], $0xFA0  }
0xa6: {  	[sflag:s20] =	ssyncset.done $0x0  }
0xa7: {  	s31 =	simm.s32 $0x19740;
	[sflag:s20] =	ssyncadd.s32 $0xFFFFF060  }
0xa8: {  	v2 =	vld [tilespmem:s31+$0x30]  }
0xa9: {  	v3 =	vld [tilespmem:s31+$0xFFFFFFD0]  }
0xaa: {  	v4 =	vld [tilespmem:s31+$0xFFFFFFE0]  }
0xab: {  	v5 =	vld [tilespmem:s31+$0xFFFFFFF0]  }
0xac: {  	v6 =	vld [tilespmem:s31+$0x0]  }
0xad: {  	v7 =	vld [tilespmem:s31+$0x10]  }
0xae: {  	v9 =	vld [tilespmem:s31+$0xFFFFFFC0]  }
0xaf: {  	s24 =	simm.s32 $0x0;
	v8 =	vld [tilespmem:s31+$0x20]  }
0xb0: {  	[tilespmem:v2+s24+$0x0] =	vst.idx.add.f32.msk $0xffff, v1  }
0xb1: {  	[tilespmem:v3+s24+$0x0] =	vst.idx.add.f32.msk $0xffff, v1  }
0xb2: {  	[tilespmem:v4+s24+$0x0] =	vst.idx.add.f32.msk $0xffff, v1  }
0xb3: {  	[tilespmem:v5+s24+$0x0] =	vst.idx.add.f32.msk $0xffff, v1  }
0xb4: {  	[tilespmem:v6+s24+$0x0] =	vst.idx.add.f32.msk $0xffff, v1  }
0xb5: {  	[tilespmem:v7+s24+$0x0] =	vst.idx.add.f32.msk $0xffff, v1  }
0xb6: {  	s25 =	simm.s32 $0x1B740;
	[tilespmem:v9+s24+$0x0] =	vst.idx.add.f32.msk $0xffff, v1  }
0xb7: {  	v2 =	vld [tilespmem:s25+$0x30]  }
0xb8: {  	[tilespmem:v8+s24+$0x0] =	vst.idx.add.f32.msk $0xffff, v1  }
0xb9: {  	v3 =	vld [tilespmem:s25+$0xFFFFFFC0]  }
0xba: {  	v59 =	vld [tilespmem:s25+$0xFFFFFFD0]  }
0xbb: {  	v60 =	vld [tilespmem:s25+$0xFFFFFFE0]  }
0xbc: {  	v61 =	vld [tilespmem:s25+$0xFFFFFFF0]  }
0xbd: {  	v62 =	vld [tilespmem:s25+$0x0]  }
0xbe: {  	v63 =	vld [tilespmem:s25+$0x10]  }
0xbf: {  	[tilespmem:v2+s19+$0x0] =	vst.idx.add.f32.msk $0xffff, v1  }
0xc0: {  	v2 =	vld [tilespmem:s25+$0x20]  }
0xc1: {  	[tilespmem:v3+s19+$0x0] =	vst.idx.add.f32.msk $0xffff, v1  }
0xc2: {  	[tilespmem:v59+s19+$0x0] =	vst.idx.add.f32.msk $0xffff, v1  }
0xc3: {  	[tilespmem:v60+s19+$0x0] =	vst.idx.add.f32.msk $0xffff, v1  }
0xc4: {  	[tilespmem:v61+s19+$0x0] =	vst.idx.add.f32.msk $0xffff, v1  }
0xc5: {  	[tilespmem:v62+s19+$0x0] =	vst.idx.add.f32.msk $0xffff, v1  }
0xc6: {  	s28 =	simm.s32 $0x197C0;
	s26 =	simm.s32 $0x0;
	[tilespmem:v63+s19+$0x0] =	vst.idx.add.f32.msk $0xffff, v1  }
.LBB2_14:
0xc7: {  	v3 =	vld [tilespmem:s28+$0x30];
	s26 =	sadd.s32 $0x8, s26  }
0xc8: {  	v4 =	vld [tilespmem:s28+$0xFFFFFFD0];
	p1 =	slt.u32 s26, $0xF0  }
0xc9: {  	v5 =	vld [tilespmem:s28+$0xFFFFFFE0]  }
0xca: {  	v6 =	vld [tilespmem:s28+$0xFFFFFFF0]  }
0xcb: {  	v7 =	vld [tilespmem:s28+$0x0]  }
0xcc: {  	v8 =	vld [tilespmem:s28+$0x10]  }
0xcd: {  	v9 =	vld [tilespmem:s28+$0x20]  }
0xce: {  	v10 =	vld [tilespmem:s28+$0xFFFFFFC0]  }
0xcf: {  	s25 =	sadd.s32 $0x80, s25;
	[tilespmem:v3+s24+$0x0] =	vst.idx.add.f32.msk $0xffff, v1  }
0xd0: {  	v3 =	vld [tilespmem:s25+$0x30]  }
0xd1: {  	[tilespmem:v4+s24+$0x0] =	vst.idx.add.f32.msk $0xffff, v1  }
0xd2: {  	[tilespmem:v5+s24+$0x0] =	vst.idx.add.f32.msk $0xffff, v1  }
0xd3: {  	[tilespmem:v6+s24+$0x0] =	vst.idx.add.f32.msk $0xffff, v1  }
0xd4: {  	[tilespmem:v7+s24+$0x0] =	vst.idx.add.f32.msk $0xffff, v1  }
0xd5: {  	[tilespmem:v8+s24+$0x0] =	vst.idx.add.f32.msk $0xffff, v1  }
0xd6: {  	[tilespmem:v10+s24+$0x0] =	vst.idx.add.f32.msk $0xffff, v1  }
0xd7: {  	[tilespmem:v9+s24+$0x0] =	vst.idx.add.f32.msk $0xffff, v1  }
0xd8: {  	[tilespmem:v3+s19+$0x0] =	vst.idx.add.f32.msk $0xffff, v1  }
0xd9: {  	v3 =	vld [tilespmem:s25+$0xFFFFFFC0]  }
0xda: {  	v4 =	vld [tilespmem:s25+$0xFFFFFFD0]  }
0xdb: {  	v5 =	vld [tilespmem:s25+$0xFFFFFFE0]  }
0xdc: {  	v6 =	vld [tilespmem:s25+$0xFFFFFFF0]  }
0xdd: {  	v7 =	vld [tilespmem:s25+$0x0]  }
0xde: {  	v8 =	vld [tilespmem:s25+$0x10]  }
0xdf: {  	v9 =	vld [tilespmem:s25+$0x20]  }
0xe0: {  	[tilespmem:v2+s19+$0x0] =	vst.idx.add.f32.msk $0xffff, v1  }
0xe1: {  	[tilespmem:v3+s19+$0x0] =	vst.idx.add.f32.msk $0xffff, v1  }
.Ltmp7:
0xe2: {  	[tilespmem:v4+s19+$0x0] =	vst.idx.add.f32.msk $0xffff, v1;
	(pc) =	sbr.rel @p1 .LBB2_14-.Ltmp7, $4  }
0xe3: {  	[tilespmem:v5+s19+$0x0] =	vst.idx.add.f32.msk $0xffff, v1  }
0xe4: {  	[tilespmem:v6+s19+$0x0] =	vst.idx.add.f32.msk $0xffff, v1;
	v2 =	vmov v9  }
0xe5: {  	[tilespmem:v7+s19+$0x0] =	vst.idx.add.f32.msk $0xffff, v1  }
0xe6: {  	s28 =	sadd.s32 $0x80, s28;
	[tilespmem:v8+s19+$0x0] =	vst.idx.add.f32.msk $0xffff, v1  }
0xe7: {  	_ =	sdelay $0x3  }
0xe8: {  	[tilespmem:v2+s19+$0x0] =	vst.idx.add.f32.msk $0xffff, v1  }
.LBB2_16:
0xe9: {  	s25 =	sshra.s32 s24, $0x2  }
0xea: {  	v2 =	vld [tilespmem:s25+$0x1A680];
	_ =	sdelay $0x7  }
0xeb: {  	[tilespmem:v2+s2+$0x0] =	vst.idx.add.f32.msk $0xffff, v1  }
0xec: {  	v2 =	vld [tilespmem:s25+$0x1C680];
	_ =	sdelay $0x2  }
0xed: {  	p1 =	sne.s32 s24, $0x40  }
.Ltmp8:
0xee: {  	_ = 	snop;
	(pc) =	sbr.rel @p1 .LBB2_16-.Ltmp8, $2  }
0xef: {  	_ =	sdelay $0x2  }
0xf0: {  	s24 =	sadd.s32 $0x40, s24;
	[tilespmem:v2+s19+$0x0] =	vst.idx.add.f32.msk $0xffff, v1  }
.Ltmp9:
0xf1: {  	(pc) =	sbr.rel @!p0 .LBB2_18-.Ltmp9, $1  }
0xf2: {  	_ =	sdelay $0x3  }
0xf3: {  	[hbm4b:s11+s2] =	stream.linear.scatter [tilespmem:s2], [sflag:$0x3], $0xC350, $0x38;
	[tilespmem:$0x1C700] =	vst v63  }
0xf4: {  	s22 =	sadd.s32 $0x1, s22;
	_ =	swait.ge [sflag:s21], $0xC350  }
0xf5: {  	p0 =	sne.s32 s22, s13;
	[sflag:s21] =	ssyncset.done $0x0  }
.Ltmp10:
0xf6: {  	[sflag:s21] =	ssyncadd.s32 $0xFFFF3CB0;
	(pc) =	sbr.rel @p0 .LBB2_1-.Ltmp10, $4  }
0xf7: {  	[hbm4b:s12+s2] =	stream.linear.scatter [tilespmem:s19], [sflag:$0x3], $0xC350, $0x38;
	[tilespmem:$0x1C700] =	vst v63  }
0xf8: {  	_ =	swait.ge [sflag:s21], $0xC350  }
0xf9: {  	[sflag:s21] =	ssyncset.done $0x0  }
0xfa: {  	[sflag:s21] =	ssyncadd.s32 $0xFFFF3CB0  }
0xfb: {  	_ =	sfence.sel $0x180000  }
0xfc: {  	[bflag:$0x0] =	sbarrier.arrive $0xFFFF  }
0xfd: {  	p0 =	sne.s32 s0, $0x0;
	_ =	strace $0x90000047  }
0xfe: {  	s0 =	sadd.s32 @!p0 $0x100000, s1;
	[bflag:$0x2] =	sbarrier.arrive $0xFFFF  }
0xff: {  	[sflag:s0] =	ssyncadd.tile.s32 @!p0 $0x1;
	_ =	shalt  }
.Lfunc_end2:
_tile_overlayer_lowered:
.L_overlay_start_2:
0x100: {  	(tag) =	ssettag $0x2  }
0x101: {  	s0 =	rddreg [dreg:$0x0];
	s2 =	stileid.u32  }
0x102: {  	s1 =	rddreg [dreg:$0x1];
	p0 =	sne.s32 s2, $0x0  }
0x103: {  	s3 =	rddreg [dreg:$0x2];
	[bflag:$0x3] =	sbarrier.arrive $0xFFFF;
	s2 =	simm.s32 @!p0 $0x1C03  }
0x104: {  	[timem:s3], [sflag:s2] =	dma.local @!p0 [hbm:s0], s1  }
0x105: {  	s0 =	simm.s32 @!p0 $0x3  }
0x106: {  	_ =	swait.ge @!p0 [sflag:s0], s1  }
0x107: {  	s1 =	ssub.s32 @!p0 $0x0, s1;
	[sflag:s0] =	ssyncset.done @!p0 $0x0  }
0x108: {  	[sflag:s0] =	ssyncadd.s32 @!p0 s1  }
0x109: {  	[bflag:$0x3] =	sbarrier.arrive $0xFFFF  }
0x10a: {  	_ =	shalt  }

</sc_bundles>
